<compile_context>
chip_gen: v7x
topology: tpu7x:2x2x1
jax: 0.10.2.dev20260603
libtpu: 0.0.44.dev20260713+nightly
codegen_flags: <defaults>
</compile_context>

<pallas_src>
import functools

import jax
import jax.numpy as jnp
from jax import lax
from jax.experimental import pallas as pl
from jax.experimental.pallas import tpu as pltpu
from jax.experimental.pallas import tpu_sc as plsc

B = 16
A = 2048
C = 1024
BA = 256
NJ = A // BA
NBUF = 8

NWK = 32
BPW = (B * A) // NWK
SCL = 16
CH = 128
NCH = BPW // CH
RW = 128


NSB = 3


def _sc_gather_kernel(y_hbm, a_hbm, lens_hbm, o_hbm,
                      idx_v, row_v, lens_v, rows_v, gsem, osem):
    wid = lax.axis_index("s") * 2 + lax.axis_index("c")
    base = wid * BPW
    pltpu.sync_copy(a_hbm.at[pl.ds(base, BPW)], idx_v)
    pltpu.sync_copy(lens_hbm, lens_v)
    nch = NCH

    def _cbody(i, _):
        a16 = idx_v[pl.ds(i * SCL, SCL)]
        pos = base + i * SCL + lax.iota(jnp.int32, SCL)
        row_v[pl.ds(i * SCL, SCL)] = (
            pos * (C // RW) + lax.shift_right_logical(a16, 7))
        return 0

    lax.fori_loop(0, BPW // SCL, _cbody, 0)

    def _gather(k, slot):
        return pltpu.make_async_copy(
            y_hbm.at[row_v.at[pl.ds(k * CH, CH)]],
            rows_v.at[slot], gsem.at[slot])

    def _out(k, slot):
        return pltpu.make_async_copy(
            rows_v.at[slot], o_hbm.at[pl.ds(base + k * CH, CH), :],
            osem.at[slot])

    for k in range(min(2, NCH)):
        @pl.when(k < nch)
        def _(k=k):
            _gather(k, k % NSB).start()
    for k in range(NCH):
        s = k % NSB

        @pl.when(k < nch)
        def _(k=k, s=s):
            _gather(k, s).wait()
        if k + 2 < NCH:
            if k >= 1:
                @pl.when(k - 1 < nch)
                def _(k=k):
                    _out(k - 1, (k - 1) % NSB).wait()

            @pl.when(k + 2 < nch)
            def _(k=k):
                _gather(k + 2, (k + 2) % NSB).start()

        @pl.when(k < nch)
        def _(k=k, s=s):
            _out(k, s).start()
    for k in range(max(NCH - 3, 0), NCH):
        @pl.when(k < nch)
        def _(k=k):
            _out(k, k % NSB).wait()


def _sc_gather_rows(y_pred, args_flat, lens):
    y_rows = y_pred.reshape(B * A * C // RW, RW)
    mesh = plsc.VectorSubcoreMesh(core_axis_name="c", subcore_axis_name="s")
    k = functools.partial(
        pl.kernel,
        mesh=mesh,
        out_type=jax.ShapeDtypeStruct((B * A, RW), jnp.float32),
        scratch_types=[
            pltpu.VMEM((BPW,), jnp.int32),
            pltpu.VMEM((BPW,), jnp.int32),
            pltpu.VMEM((B,), jnp.int32),
            pltpu.VMEM((NSB, CH, RW), jnp.float32),
            pltpu.SemaphoreType.DMA((NSB,)),
            pltpu.SemaphoreType.DMA((NSB,)),
        ],
    )(_sc_gather_kernel)
    return k(y_rows, args_flat, lens)


def _lse_kernel(lens_ref, y_hbm, o_ref, m_ref, ybuf, sems):
    b = pl.program_id(0)
    length = lens_ref[b]
    nb = (length + BA - 1) // BA

    def _copy(jj, slot):
        return pltpu.make_async_copy(
            y_hbm.at[b, pl.ds(jj * BA, BA), :], ybuf.at[slot], sems.at[slot])

    for k in range(NBUF - 1):
        @pl.when(k < nb)
        def _(k=k):
            _copy(k, k).start()

    def _body(jj, _):
        slot = lax.rem(jj, NBUF)
        nslot = lax.rem(jj + NBUF - 1, NBUF)

        @pl.when(jj + NBUF - 1 < nb)
        def _():
            _copy(jj + NBUF - 1, nslot).start()

        _copy(jj, slot).wait()
        x = ybuf[slot]
        e = jnp.exp(x)
        s = jnp.sum(e, axis=1, keepdims=True)
        pos = jj * BA + lax.broadcasted_iota(jnp.int32, (BA, 1), 0)
        valid = pos < length
        res = jnp.where(valid, jnp.log(s), 0.0)
        msk = jnp.where(valid, 1.0, 0.0)
        o_ref[b, pl.ds(jj * BA, BA)] = res.reshape(BA)
        m_ref[b, pl.ds(jj * BA, BA)] = msk.reshape(BA)
        return 0

    lax.fori_loop(0, nb, _body, 0)

    def _zbody(jj, _):
        o_ref[b, pl.ds(jj * BA, BA)] = jnp.zeros((BA,), jnp.float32)
        m_ref[b, pl.ds(jj * BA, BA)] = jnp.zeros((BA,), jnp.float32)
        return 0

    lax.fori_loop(nb, NJ, _zbody, 0)


def _tc_logz(y_pred, lens):
    return pl.pallas_call(
        _lse_kernel,
        grid_spec=pltpu.PrefetchScalarGridSpec(
            num_scalar_prefetch=1,
            grid=(B,),
            in_specs=[pl.BlockSpec(memory_space=pltpu.MemorySpace.HBM)],
            out_specs=[
                pl.BlockSpec((B, A), lambda b, lens: (0, 0)),
                pl.BlockSpec((B, A), lambda b, lens: (0, 0)),
            ],
            scratch_shapes=[
                pltpu.VMEM((NBUF, BA, C), jnp.float32),
                pltpu.SemaphoreType.DMA((NBUF,)),
            ],
        ),
        out_shape=[
            jax.ShapeDtypeStruct((B, A), jnp.float32),
            jax.ShapeDtypeStruct((B, A), jnp.float32),
        ],
    )(lens, y_pred)


def _comb_kernel(lens_ref, a_ref, logz_ref, m_ref, rows_hbm, o_ref,
                 rbuf, rsems):
    b = pl.program_id(0)
    length = lens_ref[b]
    nb = (length + BA - 1) // BA

    def _rcopy(jj, slot):
        return pltpu.make_async_copy(
            rows_hbm.at[pl.ds(b * A + jj * BA, BA), :], rbuf.at[slot],
            rsems.at[slot])

    for k in range(NBUF - 1):
        @pl.when(k < nb)
        def _(k=k):
            _rcopy(k, k).start()

    cols = lax.broadcasted_iota(jnp.int32, (BA, RW), 1)

    def _body(jj, _):
        slot = lax.rem(jj, NBUF)
        nslot = lax.rem(jj + NBUF - 1, NBUF)

        @pl.when(jj + NBUF - 1 < nb)
        def _():
            _rcopy(jj + NBUF - 1, nslot).start()

        _rcopy(jj, slot).wait()
        rows = rbuf[slot]
        aa = a_ref[b, 0, pl.ds(jj * BA, BA)].reshape(BA, 1)
        ln = lax.bitwise_and(aa, RW - 1)
        tl = jnp.sum(jnp.where(cols == ln, rows, 0.0),
                     axis=1, keepdims=True)
        lz = logz_ref[b, pl.ds(jj * BA, BA)].reshape(BA, 1)
        mk = m_ref[b, pl.ds(jj * BA, BA)].reshape(BA, 1)
        res = lz - tl * mk
        o_ref[b, pl.ds(jj * BA, BA)] = res.reshape(BA)
        return 0

    lax.fori_loop(0, nb, _body, 0)

    def _zbody(jj, _):
        o_ref[b, pl.ds(jj * BA, BA)] = jnp.zeros((BA,), jnp.float32)
        return 0

    lax.fori_loop(nb, NJ, _zbody, 0)


def _tc_combine(args, logz, maskf, rows, lens):
    return pl.pallas_call(
        _comb_kernel,
        grid_spec=pltpu.PrefetchScalarGridSpec(
            num_scalar_prefetch=1,
            grid=(B,),
            in_specs=[
                pl.BlockSpec((B, 1, A), lambda b, lens: (0, 0, 0)),
                pl.BlockSpec((B, A), lambda b, lens: (0, 0)),
                pl.BlockSpec((B, A), lambda b, lens: (0, 0)),
                pl.BlockSpec(memory_space=pltpu.MemorySpace.HBM),
            ],
            out_specs=pl.BlockSpec((B, A), lambda b, lens: (0, 0)),
            scratch_shapes=[
                pltpu.VMEM((NBUF, BA, RW), jnp.float32),
                pltpu.SemaphoreType.DMA((NBUF,)),
            ],
        ),
        out_shape=jax.ShapeDtypeStruct((B, A), jnp.float32),
    )(lens, args, logz, maskf, rows)


@jax.jit
def kernel(y_true, y_pred, lengths):
    lens = lengths.astype(jnp.int32)
    args = y_true.astype(jnp.int32)
    rows = _sc_gather_rows(y_pred, args.reshape(B * A), lens)
    logz, maskf = _tc_logz(y_pred, lens)
    return _tc_combine(args, logz, maskf, rows, lens)

# --- scband reference (transcript-rebuilt; emitter-appended) ---
"""Pipeline reference for scband-local-argument-model-7782480740683 (READ-ONLY COPY).

The authoritative reference and input builder live on the scoring server;
editing this copy changes nothing except your own understanding.
"""

import jax, jax.numpy as jnp
import numpy as np

B = 16
A = 2048  # max num_arguments per example (ragged dim densified with -1 padding)
C = 1024  # context_size (num categories for local argument logits)


def setup_inputs(seed: int = 0) -> dict:
    key = jax.random.key(seed)
    k1, k2, k3 = jax.random.split(key, 3)
    # ragged y_true [B, 1, None(num_args)] represented densely with per-row lengths
    y_true = jax.random.randint(k1, (B, 1, A), 0, C).astype(jnp.int64)
    y_pred = jax.random.normal(k2, (B, A, C), dtype=jnp.float32)
    lengths = jax.random.randint(k3, (B,), 0, A).astype(jnp.int64)
    return {"y_true": y_true, "y_pred": y_pred, "lengths": lengths}


def reference(y_true, y_pred, lengths):
    # Emulate tf.RaggedTensor.to_tensor(default_value=-1) after squeeze(axis=1):
    # positions beyond each row's length are padded with -1 (i.e. None arguments).
    args = jnp.squeeze(y_true, axis=1)  # [B, A]
    pos = jnp.arange(A, dtype=lengths.dtype)[None, :]
    valid = pos < lengths[:, None]  # [B, A] bool, like tf.where(arguments_tensor != -1)
    args = jnp.where(valid, args, -1)
    # sparse softmax cross entropy with logits for each (valid) argument position
    logz = jax.scipy.special.logsumexp(y_pred, axis=-1)  # [B, A]
    safe_args = jnp.clip(args, 0, C - 1)
    true_logit = jnp.take_along_axis(y_pred, safe_args[..., None], axis=-1)[..., 0]  # [B, A]
    ce = logz - true_logit  # [B, A]
    # Loss values for not-None arguments; padded (None) positions contribute 0,
    # matching a densified version of the ragged per-argument loss vector.
    losses = jnp.where(valid, ce, 0.0)
    return losses


if False:  # reference __main__ guard neutralized (emitter)
    out = reference(**setup_inputs())
    print(out.shape, out.dtype)

if __name__ == "__main__":
    import jax
    _d = setup_inputs()
    print(jax.jit(kernel)(*tuple(_d.values())))

</pallas_src>

<mosaic_0001>
#map = affine_map<(d0, d1) -> (0, 0)>
#map1 = affine_map<(d0, d1) -> (0)>
module attributes {stable_mosaic.version = 14 : i64} {
  func.func @_sc_gather_kernel(%arg0: i32, %arg1: i32, %arg2: memref<262144x128xf32, #tpu.memory_space<hbm>>, %arg3: memref<32768xi32, #tpu.memory_space<hbm>>, %arg4: memref<16xi32, #tpu.memory_space<hbm>>, %arg5: memref<32768x128xf32, #tpu.memory_space<hbm>>, %arg6: memref<1024xi32, #tpu.memory_space<vmem>>, %arg7: memref<1024xi32, #tpu.memory_space<vmem>>, %arg8: memref<16xi32, #tpu.memory_space<vmem>>, %arg9: memref<3x128x128xf32, #tpu.memory_space<vmem>>, %arg10: memref<3x!tpu.dma_semaphore, #tpu.memory_space<semaphore_mem>>, %arg11: memref<3x!tpu.dma_semaphore, #tpu.memory_space<semaphore_mem>>) attributes {dimension_semantics = [#tpu.dimension_semantics<core_parallel>, #tpu.dimension_semantics<subcore_parallel>], iteration_bounds = array<i64: 2, 16>, scalar_prefetch = 0 : i64, scratch_operands = 6 : i64, tpu.core_type = #tpu.core_type<sc_vector_subcore>, window_params = [{transform_indices = #map}, {transform_indices = #map1}, {transform_indices = #map1}, {transform_indices = #map}]} {
    %mul3A = arith.constant 2 : i32
    %mul3A_0 = arith.muli %arg1, %mul3A : i32
    %add3A = arith.addi %mul3A_0, %arg0 : i32
    %mul3A_1 = arith.constant 1024 : i32
    %mul3A_2 = arith.muli %add3A, %mul3A_1 : i32
    "tpu.region"() ({
      %run_scoped3A = tpu.sem_alloc : memref<!tpu.dma_semaphore, #tpu.memory_space<semaphore_mem>>
      %dma_start3A_503 = tpu.memref_slice %arg3[%mul3A_2] : memref<32768xi32, #tpu.memory_space<hbm>> -> memref<1024xi32, #tpu.memory_space<hbm>>
      %dma_start3A_504 = tpu.memref_slice %arg3[%mul3A_2] : memref<32768xi32, #tpu.memory_space<hbm>> -> memref<1024xi32, #tpu.memory_space<hbm>>
      tpu.enqueue_dma source(%dma_start3A_504 : memref<1024xi32, #tpu.memory_space<hbm>>) target(%arg6 : memref<1024xi32, #tpu.memory_space<vmem>>) target_semaphore(%run_scoped3A : memref<!tpu.dma_semaphore, #tpu.memory_space<semaphore_mem>>)
      %dma_wait3A_505 = tpu.memref_slice %arg3[%mul3A_2] : memref<32768xi32, #tpu.memory_space<hbm>> -> memref<1024xi32, #tpu.memory_space<hbm>>
      %dma_wait3A_506 = tpu.memref_slice %arg3[%mul3A_2] : memref<32768xi32, #tpu.memory_space<hbm>> -> memref<1024xi32, #tpu.memory_space<hbm>>
      tpu.wait_dma2 semaphore(%run_scoped3A : memref<!tpu.dma_semaphore, #tpu.memory_space<semaphore_mem>>) src(%dma_wait3A_506 : memref<1024xi32, #tpu.memory_space<hbm>>) dst(%arg6 : memref<1024xi32, #tpu.memory_space<vmem>>)
      tpu.yield
    }) : () -> ()
    "tpu.region"() ({
      %run_scoped3A = tpu.sem_alloc : memref<!tpu.dma_semaphore, #tpu.memory_space<semaphore_mem>>
      tpu.enqueue_dma source(%arg4 : memref<16xi32, #tpu.memory_space<hbm>>) target(%arg8 : memref<16xi32, #tpu.memory_space<vmem>>) target_semaphore(%run_scoped3A : memref<!tpu.dma_semaphore, #tpu.memory_space<semaphore_mem>>)
      tpu.wait_dma2 semaphore(%run_scoped3A : memref<!tpu.dma_semaphore, #tpu.memory_space<semaphore_mem>>) src(%arg4 : memref<16xi32, #tpu.memory_space<hbm>>) dst(%arg8 : memref<16xi32, #tpu.memory_space<vmem>>)
      tpu.yield
    }) : () -> ()
    %scan3A = arith.constant 0 : i32
    %scan3A_3 = arith.constant 0 : i32
    %scan3A_4 = arith.constant 64 : i32
    %scan3A_5 = arith.addi %scan3A_3, %scan3A_4 : i32
    %scan3A_6 = arith.constant 1 : i32
    %scan3A_7 = scf.for %scan3A_503 = %scan3A_3 to %scan3A_5 step %scan3A_6 iter_args(%scan3A_504 = %scan3A) -> (i32)  : i32 {
      %mul3A_505 = arith.constant 16 : i32
      %mul3A_506 = arith.muli %scan3A_503, %mul3A_505 : i32
      %get3A = arith.index_cast %mul3A_506 : i32 to index
      %get3A_507 = tpu.vector_load %arg6[%get3A] {strides = array<i32>} : memref<1024xi32, #tpu.memory_space<vmem>>, vector<16xi32>,
      %get3A_508 = vector.shape_cast %get3A_507 : vector<16xi32> to vector<16xi32>
      %mul3A_509 = arith.constant 16 : i32
      %mul3A_510 = arith.muli %scan3A_503, %mul3A_509 : i32
      %add3A_511 = arith.addi %mul3A_2, %mul3A_510 : i32
      %iota3A = tpu.iota {dimensions = array<i32: 0>} : vector<16xi32>
      %add3A_512 = vector.broadcast %add3A_511 : i32 to vector<16xi32>
      %add3A_513 = arith.addi %add3A_512, %iota3A : vector<16xi32>
      %mul3A_514 = arith.constant 8 : i32
      %mul3A_515 = vector.broadcast %mul3A_514 : i32 to vector<16xi32>
      %mul3A_516 = arith.muli %add3A_513, %mul3A_515 : vector<16xi32>
      %shift_right_logical3A = arith.constant 7 : i32
      %shift_right_logical3A_517 = vector.broadcast %shift_right_logical3A : i32 to vector<16xi32>
      %shift_right_logical3A_518 = arith.shrui %get3A_508, %shift_right_logical3A_517 : vector<16xi32>
      %add3A_519 = arith.addi %mul3A_516, %shift_right_logical3A_518 : vector<16xi32>
      %mul3A_520 = arith.constant 16 : i32
      %mul3A_521 = arith.muli %scan3A_503, %mul3A_520 : i32
      %swap3A = arith.index_cast %mul3A_521 : i32 to index
      %swap3A_522 = tpu.vector_load %arg7[%swap3A] {strides = array<i32>} : memref<1024xi32, #tpu.memory_space<vmem>>, vector<16xi32>,
      %swap3A_523 = vector.shape_cast %swap3A_522 : vector<16xi32> to vector<16xi32>
      %swap3A_524 = vector.shape_cast %add3A_519 : vector<16xi32> to vector<16xi32>
      tpu.vector_store %arg7[%swap3A], %swap3A_524 {strides = array<i32>} : memref<1024xi32, #tpu.memory_space<vmem>>, vector<16xi32>,
      %scan3A_525 = arith.constant 0 : i32
      scf.yield %scan3A_525 : i32
    }
    %scan3A_8 = arith.constant 64 : i32
    %dma_start3A = arith.constant 0 : i32
    %dma_start3A_9 = arith.constant 0 : i32
    %dma_start3A_10 = arith.constant 0 : i32
    %dma_start3A_11 = arith.constant 0 : i32
    %dma_start3A_12 = tpu.memref_slice %arg9[%dma_start3A, %dma_start3A_10, %dma_start3A_11] : memref<3x128x128xf32, #tpu.memory_space<vmem>> -> memref<1x128x128xf32, #tpu.memory_space<vmem>>
    %dma_start3A_13 = tpu.memref_squeeze %dma_start3A_12 : memref<1x128x128xf32, #tpu.memory_space<vmem>> -> memref<128x128xf32, #tpu.memory_space<vmem>>
    %dma_start3A_14 = arith.constant 0 : i32
    %dma_start3A_15 = tpu.memref_slice %arg7[%dma_start3A_14] : memref<1024xi32, #tpu.memory_space<vmem>> -> memref<128xi32, #tpu.memory_space<vmem>>
    %dma_start3A_16 = arith.constant 0 : i32
    %dma_start3A_17 = arith.constant 0 : i32
    %dma_start3A_18 = tpu.memref_slice %arg2[%dma_start3A_16, %dma_start3A_17] : memref<262144x128xf32, #tpu.memory_space<hbm>> -> memref<262144x128xf32, #tpu.memory_space<hbm>>
    %dma_start3A_19 = tpu.memref_slice %arg10[%dma_start3A_9] : memref<3x!tpu.dma_semaphore, #tpu.memory_space<semaphore_mem>> -> memref<1x!tpu.dma_semaphore, #tpu.memory_space<semaphore_mem>>
    %dma_start3A_20 = tpu.memref_squeeze %dma_start3A_19 : memref<1x!tpu.dma_semaphore, #tpu.memory_space<semaphore_mem>> -> memref<!tpu.dma_semaphore, #tpu.memory_space<semaphore_mem>>
    tpu.enqueue_indirect_dma source(%dma_start3A_18 : memref<262144x128xf32, #tpu.memory_space<hbm>>) target(%dma_start3A_13 : memref<128x128xf32, #tpu.memory_space<vmem>>) offsets(%dma_start3A_15 : memref<128xi32, #tpu.memory_space<vmem>>) semaphore(%dma_start3A_20 : memref<!tpu.dma_semaphore, #tpu.memory_space<semaphore_mem>>)
    %dma_start3A_21 = arith.constant 1 : i32
    %dma_start3A_22 = arith.constant 1 : i32
    %dma_start3A_23 = arith.constant 0 : i32
    %dma_start3A_24 = arith.constant 0 : i32
    %dma_start3A_25 = tpu.memref_slice %arg9[%dma_start3A_21, %dma_start3A_23, %dma_start3A_24] : memref<3x128x128xf32, #tpu.memory_space<vmem>> -> memref<1x128x128xf32, #tpu.memory_space<vmem>>
    %dma_start3A_26 = tpu.memref_squeeze %dma_start3A_25 : memref<1x128x128xf32, #tpu.memory_space<vmem>> -> memref<128x128xf32, #tpu.memory_space<vmem>>
    %dma_start3A_27 = arith.constant 128 : i32
    %dma_start3A_28 = tpu.memref_slice %arg7[%dma_start3A_27] : memref<1024xi32, #tpu.memory_space<vmem>> -> memref<128xi32, #tpu.memory_space<vmem>>
    %dma_start3A_29 = arith.constant 0 : i32
    %dma_start3A_30 = arith.constant 0 : i32
    %dma_start3A_31 = tpu.memref_slice %arg2[%dma_start3A_29, %dma_start3A_30] : memref<262144x128xf32, #tpu.memory_space<hbm>> -> memref<262144x128xf32, #tpu.memory_space<hbm>>
    %dma_start3A_32 = tpu.memref_slice %arg10[%dma_start3A_22] : memref<3x!tpu.dma_semaphore, #tpu.memory_space<semaphore_mem>> -> memref<1x!tpu.dma_semaphore, #tpu.memory_space<semaphore_mem>>
    %dma_start3A_33 = tpu.memref_squeeze %dma_start3A_32 : memref<1x!tpu.dma_semaphore, #tpu.memory_space<semaphore_mem>> -> memref<!tpu.dma_semaphore, #tpu.memory_space<semaphore_mem>>
    tpu.enqueue_indirect_dma source(%dma_start3A_31 : memref<262144x128xf32, #tpu.memory_space<hbm>>) target(%dma_start3A_26 : memref<128x128xf32, #tpu.memory_space<vmem>>) offsets(%dma_start3A_28 : memref<128xi32, #tpu.memory_space<vmem>>) semaphore(%dma_start3A_33 : memref<!tpu.dma_semaphore, #tpu.memory_space<semaphore_mem>>)
    %dma_wait3A = arith.constant 0 : i32
    %dma_wait3A_34 = arith.constant 0 : i32
    %dma_wait3A_35 = arith.constant 0 : i32
    %dma_wait3A_36 = arith.constant 0 : i32
    %dma_wait3A_37 = tpu.memref_slice %arg9[%dma_wait3A, %dma_wait3A_35, %dma_wait3A_36] : memref<3x128x128xf32, #tpu.memory_space<vmem>> -> memref<1x128x128xf32, #tpu.memory_space<vmem>>
    %dma_wait3A_38 = tpu.memref_squeeze %dma_wait3A_37 : memref<1x128x128xf32, #tpu.memory_space<vmem>> -> memref<128x128xf32, #tpu.memory_space<vmem>>
    %dma_wait3A_39 = arith.constant 0 : i32
    %dma_wait3A_40 = tpu.memref_slice %arg7[%dma_wait3A_39] : memref<1024xi32, #tpu.memory_space<vmem>> -> memref<128xi32, #tpu.memory_space<vmem>>
    %dma_wait3A_41 = arith.constant 0 : i32
    %dma_wait3A_42 = arith.constant 0 : i32
    %dma_wait3A_43 = tpu.memref_slice %arg2[%dma_wait3A_41, %dma_wait3A_42] : memref<262144x128xf32, #tpu.memory_space<hbm>> -> memref<262144x128xf32, #tpu.memory_space<hbm>>
    %dma_wait3A_44 = tpu.memref_slice %arg10[%dma_wait3A_34] : memref<3x!tpu.dma_semaphore, #tpu.memory_space<semaphore_mem>> -> memref<1x!tpu.dma_semaphore, #tpu.memory_space<semaphore_mem>>
    %dma_wait3A_45 = tpu.memref_squeeze %dma_wait3A_44 : memref<1x!tpu.dma_semaphore, #tpu.memory_space<semaphore_mem>> -> memref<!tpu.dma_semaphore, #tpu.memory_space<semaphore_mem>>
    tpu.wait_indirect_dma semaphore(%dma_wait3A_45 : memref<!tpu.dma_semaphore, #tpu.memory_space<semaphore_mem>>) src(%dma_wait3A_43 : memref<262144x128xf32, #tpu.memory_space<hbm>>) dst(%dma_wait3A_38 : memref<128x128xf32, #tpu.memory_space<vmem>>)
    %dma_start3A_46 = arith.constant 2 : i32
    %dma_start3A_47 = arith.constant 2 : i32
    %dma_start3A_48 = arith.constant 0 : i32
    %dma_start3A_49 = arith.constant 0 : i32
    %dma_start3A_50 = tpu.memref_slice %arg9[%dma_start3A_46, %dma_start3A_48, %dma_start3A_49] : memref<3x128x128xf32, #tpu.memory_space<vmem>> -> memref<1x128x128xf32, #tpu.memory_space<vmem>>
    %dma_start3A_51 = tpu.memref_squeeze %dma_start3A_50 : memref<1x128x128xf32, #tpu.memory_space<vmem>> -> memref<128x128xf32, #tpu.memory_space<vmem>>
    %dma_start3A_52 = arith.constant 256 : i32
    %dma_start3A_53 = tpu.memref_slice %arg7[%dma_start3A_52] : memref<1024xi32, #tpu.memory_space<vmem>> -> memref<128xi32, #tpu.memory_space<vmem>>
    %dma_start3A_54 = arith.constant 0 : i32
    %dma_start3A_55 = arith.constant 0 : i32
    %dma_start3A_56 = tpu.memref_slice %arg2[%dma_start3A_54, %dma_start3A_55] : memref<262144x128xf32, #tpu.memory_space<hbm>> -> memref<262144x128xf32, #tpu.memory_space<hbm>>
    %dma_start3A_57 = tpu.memref_slice %arg10[%dma_start3A_47] : memref<3x!tpu.dma_semaphore, #tpu.memory_space<semaphore_mem>> -> memref<1x!tpu.dma_semaphore, #tpu.memory_space<semaphore_mem>>
    %dma_start3A_58 = tpu.memref_squeeze %dma_start3A_57 : memref<1x!tpu.dma_semaphore, #tpu.memory_space<semaphore_mem>> -> memref<!tpu.dma_semaphore, #tpu.memory_space<semaphore_mem>>
    tpu.enqueue_indirect_dma source(%dma_start3A_56 : memref<262144x128xf32, #tpu.memory_space<hbm>>) target(%dma_start3A_51 : memref<128x128xf32, #tpu.memory_space<vmem>>) offsets(%dma_start3A_53 : memref<128xi32, #tpu.memory_space<vmem>>) semaphore(%dma_start3A_58 : memref<!tpu.dma_semaphore, #tpu.memory_space<semaphore_mem>>)
    %add3A_59 = arith.constant 0 : i32
    %add3A_60 = arith.addi %mul3A_2, %add3A_59 : i32
    %dma_start3A_61 = arith.constant 0 : i32
    %dma_start3A_62 = arith.constant 0 : i32
    %dma_start3A_63 = arith.constant 0 : i32
    %dma_start3A_64 = arith.constant 0 : i32
    %dma_start3A_65 = tpu.memref_slice %arg9[%dma_start3A_61, %dma_start3A_63, %dma_start3A_64] : memref<3x128x128xf32, #tpu.memory_space<vmem>> -> memref<1x128x128xf32, #tpu.memory_space<vmem>>
    %dma_start3A_66 = tpu.memref_squeeze %dma_start3A_65 : memref<1x128x128xf32, #tpu.memory_space<vmem>> -> memref<128x128xf32, #tpu.memory_space<vmem>>
    %dma_start3A_67 = arith.constant 0 : i32
    %dma_start3A_68 = tpu.memref_slice %arg5[%add3A_60, %dma_start3A_67] : memref<32768x128xf32, #tpu.memory_space<hbm>> -> memref<128x128xf32, #tpu.memory_space<hbm>>
    %dma_start3A_69 = tpu.memref_slice %arg11[%dma_start3A_62] : memref<3x!tpu.dma_semaphore, #tpu.memory_space<semaphore_mem>> -> memref<1x!tpu.dma_semaphore, #tpu.memory_space<semaphore_mem>>
    %dma_start3A_70 = tpu.memref_squeeze %dma_start3A_69 : memref<1x!tpu.dma_semaphore, #tpu.memory_space<semaphore_mem>> -> memref<!tpu.dma_semaphore, #tpu.memory_space<semaphore_mem>>
    %dma_start3A_71 = arith.constant 0 : i32
    %dma_start3A_72 = tpu.memref_slice %arg5[%add3A_60, %dma_start3A_71] : memref<32768x128xf32, #tpu.memory_space<hbm>> -> memref<128x128xf32, #tpu.memory_space<hbm>>
    %dma_start3A_73 = arith.constant 0 : i32
    %dma_start3A_74 = arith.constant 0 : i32
    %dma_start3A_75 = tpu.memref_slice %arg9[%dma_start3A_61, %dma_start3A_73, %dma_start3A_74] : memref<3x128x128xf32, #tpu.memory_space<vmem>> -> memref<1x128x128xf32, #tpu.memory_space<vmem>>
    %dma_start3A_76 = tpu.memref_squeeze %dma_start3A_75 : memref<1x128x128xf32, #tpu.memory_space<vmem>> -> memref<128x128xf32, #tpu.memory_space<vmem>>
    tpu.enqueue_dma source(%dma_start3A_76 : memref<128x128xf32, #tpu.memory_space<vmem>>) target(%dma_start3A_72 : memref<128x128xf32, #tpu.memory_space<hbm>>) target_semaphore(%dma_start3A_70 : memref<!tpu.dma_semaphore, #tpu.memory_space<semaphore_mem>>)
    %dma_wait3A_77 = arith.constant 1 : i32
    %dma_wait3A_78 = arith.constant 1 : i32
    %dma_wait3A_79 = arith.constant 0 : i32
    %dma_wait3A_80 = arith.constant 0 : i32
    %dma_wait3A_81 = tpu.memref_slice %arg9[%dma_wait3A_77, %dma_wait3A_79, %dma_wait3A_80] : memref<3x128x128xf32, #tpu.memory_space<vmem>> -> memref<1x128x128xf32, #tpu.memory_space<vmem>>
    %dma_wait3A_82 = tpu.memref_squeeze %dma_wait3A_81 : memref<1x128x128xf32, #tpu.memory_space<vmem>> -> memref<128x128xf32, #tpu.memory_space<vmem>>
    %dma_wait3A_83 = arith.constant 128 : i32
    %dma_wait3A_84 = tpu.memref_slice %arg7[%dma_wait3A_83] : memref<1024xi32, #tpu.memory_space<vmem>> -> memref<128xi32, #tpu.memory_space<vmem>>
    %dma_wait3A_85 = arith.constant 0 : i32
    %dma_wait3A_86 = arith.constant 0 : i32
    %dma_wait3A_87 = tpu.memref_slice %arg2[%dma_wait3A_85, %dma_wait3A_86] : memref<262144x128xf32, #tpu.memory_space<hbm>> -> memref<262144x128xf32, #tpu.memory_space<hbm>>
    %dma_wait3A_88 = tpu.memref_slice %arg10[%dma_wait3A_78] : memref<3x!tpu.dma_semaphore, #tpu.memory_space<semaphore_mem>> -> memref<1x!tpu.dma_semaphore, #tpu.memory_space<semaphore_mem>>
    %dma_wait3A_89 = tpu.memref_squeeze %dma_wait3A_88 : memref<1x!tpu.dma_semaphore, #tpu.memory_space<semaphore_mem>> -> memref<!tpu.dma_semaphore, #tpu.memory_space<semaphore_mem>>
    tpu.wait_indirect_dma semaphore(%dma_wait3A_89 : memref<!tpu.dma_semaphore, #tpu.memory_space<semaphore_mem>>) src(%dma_wait3A_87 : memref<262144x128xf32, #tpu.memory_space<hbm>>) dst(%dma_wait3A_82 : memref<128x128xf32, #tpu.memory_space<vmem>>)
    %add3A_90 = arith.constant 0 : i32
    %add3A_91 = arith.addi %mul3A_2, %add3A_90 : i32
    %dma_wait3A_92 = arith.constant 0 : i32
    %dma_wait3A_93 = arith.constant 0 : i32
    %dma_wait3A_94 = arith.constant 0 : i32
    %dma_wait3A_95 = arith.constant 0 : i32
    %dma_wait3A_96 = tpu.memref_slice %arg9[%dma_wait3A_92, %dma_wait3A_94, %dma_wait3A_95] : memref<3x128x128xf32, #tpu.memory_space<vmem>> -> memref<1x128x128xf32, #tpu.memory_space<vmem>>
    %dma_wait3A_97 = tpu.memref_squeeze %dma_wait3A_96 : memref<1x128x128xf32, #tpu.memory_space<vmem>> -> memref<128x128xf32, #tpu.memory_space<vmem>>
    %dma_wait3A_98 = arith.constant 0 : i32
    %dma_wait3A_99 = tpu.memref_slice %arg5[%add3A_91, %dma_wait3A_98] : memref<32768x128xf32, #tpu.memory_space<hbm>> -> memref<128x128xf32, #tpu.memory_space<hbm>>
    %dma_wait3A_100 = tpu.memref_slice %arg11[%dma_wait3A_93] : memref<3x!tpu.dma_semaphore, #tpu.memory_space<semaphore_mem>> -> memref<1x!tpu.dma_semaphore, #tpu.memory_space<semaphore_mem>>
    %dma_wait3A_101 = tpu.memref_squeeze %dma_wait3A_100 : memref<1x!tpu.dma_semaphore, #tpu.memory_space<semaphore_mem>> -> memref<!tpu.dma_semaphore, #tpu.memory_space<semaphore_mem>>
    %dma_wait3A_102 = arith.constant 0 : i32
    %dma_wait3A_103 = tpu.memref_slice %arg5[%add3A_91, %dma_wait3A_102] : memref<32768x128xf32, #tpu.memory_space<hbm>> -> memref<128x128xf32, #tpu.memory_space<hbm>>
    %dma_wait3A_104 = arith.constant 0 : i32
    %dma_wait3A_105 = arith.constant 0 : i32
    %dma_wait3A_106 = tpu.memref_slice %arg9[%dma_wait3A_92, %dma_wait3A_104, %dma_wait3A_105] : memref<3x128x128xf32, #tpu.memory_space<vmem>> -> memref<1x128x128xf32, #tpu.memory_space<vmem>>
    %dma_wait3A_107 = tpu.memref_squeeze %dma_wait3A_106 : memref<1x128x128xf32, #tpu.memory_space<vmem>> -> memref<128x128xf32, #tpu.memory_space<vmem>>
    tpu.wait_dma2 semaphore(%dma_wait3A_101 : memref<!tpu.dma_semaphore, #tpu.memory_space<semaphore_mem>>) src(%dma_wait3A_107 : memref<128x128xf32, #tpu.memory_space<vmem>>) dst(%dma_wait3A_103 : memref<128x128xf32, #tpu.memory_space<hbm>>)
    %dma_start3A_108 = arith.constant 0 : i32
    %dma_start3A_109 = arith.constant 0 : i32
    %dma_start3A_110 = arith.constant 0 : i32
    %dma_start3A_111 = arith.constant 0 : i32
    %dma_start3A_112 = tpu.memref_slice %arg9[%dma_start3A_108, %dma_start3A_110, %dma_start3A_111] : memref<3x128x128xf32, #tpu.memory_space<vmem>> -> memref<1x128x128xf32, #tpu.memory_space<vmem>>
    %dma_start3A_113 = tpu.memref_squeeze %dma_start3A_112 : memref<1x128x128xf32, #tpu.memory_space<vmem>> -> memref<128x128xf32, #tpu.memory_space<vmem>>
    %dma_start3A_114 = arith.constant 384 : i32
    %dma_start3A_115 = tpu.memref_slice %arg7[%dma_start3A_114] : memref<1024xi32, #tpu.memory_space<vmem>> -> memref<128xi32, #tpu.memory_space<vmem>>
    %dma_start3A_116 = arith.constant 0 : i32
    %dma_start3A_117 = arith.constant 0 : i32
    %dma_start3A_118 = tpu.memref_slice %arg2[%dma_start3A_116, %dma_start3A_117] : memref<262144x128xf32, #tpu.memory_space<hbm>> -> memref<262144x128xf32, #tpu.memory_space<hbm>>
    %dma_start3A_119 = tpu.memref_slice %arg10[%dma_start3A_109] : memref<3x!tpu.dma_semaphore, #tpu.memory_space<semaphore_mem>> -> memref<1x!tpu.dma_semaphore, #tpu.memory_space<semaphore_mem>>
    %dma_start3A_120 = tpu.memref_squeeze %dma_start3A_119 : memref<1x!tpu.dma_semaphore, #tpu.memory_space<semaphore_mem>> -> memref<!tpu.dma_semaphore, #tpu.memory_space<semaphore_mem>>
    tpu.enqueue_indirect_dma source(%dma_start3A_118 : memref<262144x128xf32, #tpu.memory_space<hbm>>) target(%dma_start3A_113 : memref<128x128xf32, #tpu.memory_space<vmem>>) offsets(%dma_start3A_115 : memref<128xi32, #tpu.memory_space<vmem>>) semaphore(%dma_start3A_120 : memref<!tpu.dma_semaphore, #tpu.memory_space<semaphore_mem>>)
    %add3A_121 = arith.constant 128 : i32
    %add3A_122 = arith.addi %mul3A_2, %add3A_121 : i32
    %dma_start3A_123 = arith.constant 1 : i32
    %dma_start3A_124 = arith.constant 1 : i32
    %dma_start3A_125 = arith.constant 0 : i32
    %dma_start3A_126 = arith.constant 0 : i32
    %dma_start3A_127 = tpu.memref_slice %arg9[%dma_start3A_123, %dma_start3A_125, %dma_start3A_126] : memref<3x128x128xf32, #tpu.memory_space<vmem>> -> memref<1x128x128xf32, #tpu.memory_space<vmem>>
    %dma_start3A_128 = tpu.memref_squeeze %dma_start3A_127 : memref<1x128x128xf32, #tpu.memory_space<vmem>> -> memref<128x128xf32, #tpu.memory_space<vmem>>
    %dma_start3A_129 = arith.constant 0 : i32
    %dma_start3A_130 = tpu.memref_slice %arg5[%add3A_122, %dma_start3A_129] : memref<32768x128xf32, #tpu.memory_space<hbm>> -> memref<128x128xf32, #tpu.memory_space<hbm>>
    %dma_start3A_131 = tpu.memref_slice %arg11[%dma_start3A_124] : memref<3x!tpu.dma_semaphore, #tpu.memory_space<semaphore_mem>> -> memref<1x!tpu.dma_semaphore, #tpu.memory_space<semaphore_mem>>
    %dma_start3A_132 = tpu.memref_squeeze %dma_start3A_131 : memref<1x!tpu.dma_semaphore, #tpu.memory_space<semaphore_mem>> -> memref<!tpu.dma_semaphore, #tpu.memory_space<semaphore_mem>>
    %dma_start3A_133 = arith.constant 0 : i32
    %dma_start3A_134 = tpu.memref_slice %arg5[%add3A_122, %dma_start3A_133] : memref<32768x128xf32, #tpu.memory_space<hbm>> -> memref<128x128xf32, #tpu.memory_space<hbm>>
    %dma_start3A_135 = arith.constant 0 : i32
    %dma_start3A_136 = arith.constant 0 : i32
    %dma_start3A_137 = tpu.memref_slice %arg9[%dma_start3A_123, %dma_start3A_135, %dma_start3A_136] : memref<3x128x128xf32, #tpu.memory_space<vmem>> -> memref<1x128x128xf32, #tpu.memory_space<vmem>>
    %dma_start3A_138 = tpu.memref_squeeze %dma_start3A_137 : memref<1x128x128xf32, #tpu.memory_space<vmem>> -> memref<128x128xf32, #tpu.memory_space<vmem>>
    tpu.enqueue_dma source(%dma_start3A_138 : memref<128x128xf32, #tpu.memory_space<vmem>>) target(%dma_start3A_134 : memref<128x128xf32, #tpu.memory_space<hbm>>) target_semaphore(%dma_start3A_132 : memref<!tpu.dma_semaphore, #tpu.memory_space<semaphore_mem>>)
    %dma_wait3A_139 = arith.constant 2 : i32
    %dma_wait3A_140 = arith.constant 2 : i32
    %dma_wait3A_141 = arith.constant 0 : i32
    %dma_wait3A_142 = arith.constant 0 : i32
    %dma_wait3A_143 = tpu.memref_slice %arg9[%dma_wait3A_139, %dma_wait3A_141, %dma_wait3A_142] : memref<3x128x128xf32, #tpu.memory_space<vmem>> -> memref<1x128x128xf32, #tpu.memory_space<vmem>>
    %dma_wait3A_144 = tpu.memref_squeeze %dma_wait3A_143 : memref<1x128x128xf32, #tpu.memory_space<vmem>> -> memref<128x128xf32, #tpu.memory_space<vmem>>
    %dma_wait3A_145 = arith.constant 256 : i32
    %dma_wait3A_146 = tpu.memref_slice %arg7[%dma_wait3A_145] : memref<1024xi32, #tpu.memory_space<vmem>> -> memref<128xi32, #tpu.memory_space<vmem>>
    %dma_wait3A_147 = arith.constant 0 : i32
    %dma_wait3A_148 = arith.constant 0 : i32
    %dma_wait3A_149 = tpu.memref_slice %arg2[%dma_wait3A_147, %dma_wait3A_148] : memref<262144x128xf32, #tpu.memory_space<hbm>> -> memref<262144x128xf32, #tpu.memory_space<hbm>>
    %dma_wait3A_150 = tpu.memref_slice %arg10[%dma_wait3A_140] : memref<3x!tpu.dma_semaphore, #tpu.memory_space<semaphore_mem>> -> memref<1x!tpu.dma_semaphore, #tpu.memory_space<semaphore_mem>>
    %dma_wait3A_151 = tpu.memref_squeeze %dma_wait3A_150 : memref<1x!tpu.dma_semaphore, #tpu.memory_space<semaphore_mem>> -> memref<!tpu.dma_semaphore, #tpu.memory_space<semaphore_mem>>
    tpu.wait_indirect_dma semaphore(%dma_wait3A_151 : memref<!tpu.dma_semaphore, #tpu.memory_space<semaphore_mem>>) src(%dma_wait3A_149 : memref<262144x128xf32, #tpu.memory_space<hbm>>) dst(%dma_wait3A_144 : memref<128x128xf32, #tpu.memory_space<vmem>>)
    %add3A_152 = arith.constant 128 : i32
    %add3A_153 = arith.addi %mul3A_2, %add3A_152 : i32
    %dma_wait3A_154 = arith.constant 1 : i32
    %dma_wait3A_155 = arith.constant 1 : i32
    %dma_wait3A_156 = arith.constant 0 : i32
    %dma_wait3A_157 = arith.constant 0 : i32
    %dma_wait3A_158 = tpu.memref_slice %arg9[%dma_wait3A_154, %dma_wait3A_156, %dma_wait3A_157] : memref<3x128x128xf32, #tpu.memory_space<vmem>> -> memref<1x128x128xf32, #tpu.memory_space<vmem>>
    %dma_wait3A_159 = tpu.memref_squeeze %dma_wait3A_158 : memref<1x128x128xf32, #tpu.memory_space<vmem>> -> memref<128x128xf32, #tpu.memory_space<vmem>>
    %dma_wait3A_160 = arith.constant 0 : i32
    %dma_wait3A_161 = tpu.memref_slice %arg5[%add3A_153, %dma_wait3A_160] : memref<32768x128xf32, #tpu.memory_space<hbm>> -> memref<128x128xf32, #tpu.memory_space<hbm>>
    %dma_wait3A_162 = tpu.memref_slice %arg11[%dma_wait3A_155] : memref<3x!tpu.dma_semaphore, #tpu.memory_space<semaphore_mem>> -> memref<1x!tpu.dma_semaphore, #tpu.memory_space<semaphore_mem>>
    %dma_wait3A_163 = tpu.memref_squeeze %dma_wait3A_162 : memref<1x!tpu.dma_semaphore, #tpu.memory_space<semaphore_mem>> -> memref<!tpu.dma_semaphore, #tpu.memory_space<semaphore_mem>>
    %dma_wait3A_164 = arith.constant 0 : i32
    %dma_wait3A_165 = tpu.memref_slice %arg5[%add3A_153, %dma_wait3A_164] : memref<32768x128xf32, #tpu.memory_space<hbm>> -> memref<128x128xf32, #tpu.memory_space<hbm>>
    %dma_wait3A_166 = arith.constant 0 : i32
    %dma_wait3A_167 = arith.constant 0 : i32
    %dma_wait3A_168 = tpu.memref_slice %arg9[%dma_wait3A_154, %dma_wait3A_166, %dma_wait3A_167] : memref<3x128x128xf32, #tpu.memory_space<vmem>> -> memref<1x128x128xf32, #tpu.memory_space<vmem>>
    %dma_wait3A_169 = tpu.memref_squeeze %dma_wait3A_168 : memref<1x128x128xf32, #tpu.memory_space<vmem>> -> memref<128x128xf32, #tpu.memory_space<vmem>>
    tpu.wait_dma2 semaphore(%dma_wait3A_163 : memref<!tpu.dma_semaphore, #tpu.memory_space<semaphore_mem>>) src(%dma_wait3A_169 : memref<128x128xf32, #tpu.memory_space<vmem>>) dst(%dma_wait3A_165 : memref<128x128xf32, #tpu.memory_space<hbm>>)
    %dma_start3A_170 = arith.constant 1 : i32
    %dma_start3A_171 = arith.constant 1 : i32
    %dma_start3A_172 = arith.constant 0 : i32
    %dma_start3A_173 = arith.constant 0 : i32
    %dma_start3A_174 = tpu.memref_slice %arg9[%dma_start3A_170, %dma_start3A_172, %dma_start3A_173] : memref<3x128x128xf32, #tpu.memory_space<vmem>> -> memref<1x128x128xf32, #tpu.memory_space<vmem>>
    %dma_start3A_175 = tpu.memref_squeeze %dma_start3A_174 : memref<1x128x128xf32, #tpu.memory_space<vmem>> -> memref<128x128xf32, #tpu.memory_space<vmem>>
    %dma_start3A_176 = arith.constant 512 : i32
    %dma_start3A_177 = tpu.memref_slice %arg7[%dma_start3A_176] : memref<1024xi32, #tpu.memory_space<vmem>> -> memref<128xi32, #tpu.memory_space<vmem>>
    %dma_start3A_178 = arith.constant 0 : i32
    %dma_start3A_179 = arith.constant 0 : i32
    %dma_start3A_180 = tpu.memref_slice %arg2[%dma_start3A_178, %dma_start3A_179] : memref<262144x128xf32, #tpu.memory_space<hbm>> -> memref<262144x128xf32, #tpu.memory_space<hbm>>
    %dma_start3A_181 = tpu.memref_slice %arg10[%dma_start3A_171] : memref<3x!tpu.dma_semaphore, #tpu.memory_space<semaphore_mem>> -> memref<1x!tpu.dma_semaphore, #tpu.memory_space<semaphore_mem>>
    %dma_start3A_182 = tpu.memref_squeeze %dma_start3A_181 : memref<1x!tpu.dma_semaphore, #tpu.memory_space<semaphore_mem>> -> memref<!tpu.dma_semaphore, #tpu.memory_space<semaphore_mem>>
    tpu.enqueue_indirect_dma source(%dma_start3A_180 : memref<262144x128xf32, #tpu.memory_space<hbm>>) target(%dma_start3A_175 : memref<128x128xf32, #tpu.memory_space<vmem>>) offsets(%dma_start3A_177 : memref<128xi32, #tpu.memory_space<vmem>>) semaphore(%dma_start3A_182 : memref<!tpu.dma_semaphore, #tpu.memory_space<semaphore_mem>>)
    %add3A_183 = arith.constant 256 : i32
    %add3A_184 = arith.addi %mul3A_2, %add3A_183 : i32
    %dma_start3A_185 = arith.constant 2 : i32
    %dma_start3A_186 = arith.constant 2 : i32
    %dma_start3A_187 = arith.constant 0 : i32
    %dma_start3A_188 = arith.constant 0 : i32
    %dma_start3A_189 = tpu.memref_slice %arg9[%dma_start3A_185, %dma_start3A_187, %dma_start3A_188] : memref<3x128x128xf32, #tpu.memory_space<vmem>> -> memref<1x128x128xf32, #tpu.memory_space<vmem>>
    %dma_start3A_190 = tpu.memref_squeeze %dma_start3A_189 : memref<1x128x128xf32, #tpu.memory_space<vmem>> -> memref<128x128xf32, #tpu.memory_space<vmem>>
    %dma_start3A_191 = arith.constant 0 : i32
    %dma_start3A_192 = tpu.memref_slice %arg5[%add3A_184, %dma_start3A_191] : memref<32768x128xf32, #tpu.memory_space<hbm>> -> memref<128x128xf32, #tpu.memory_space<hbm>>
    %dma_start3A_193 = tpu.memref_slice %arg11[%dma_start3A_186] : memref<3x!tpu.dma_semaphore, #tpu.memory_space<semaphore_mem>> -> memref<1x!tpu.dma_semaphore, #tpu.memory_space<semaphore_mem>>
    %dma_start3A_194 = tpu.memref_squeeze %dma_start3A_193 : memref<1x!tpu.dma_semaphore, #tpu.memory_space<semaphore_mem>> -> memref<!tpu.dma_semaphore, #tpu.memory_space<semaphore_mem>>
    %dma_start3A_195 = arith.constant 0 : i32
    %dma_start3A_196 = tpu.memref_slice %arg5[%add3A_184, %dma_start3A_195] : memref<32768x128xf32, #tpu.memory_space<hbm>> -> memref<128x128xf32, #tpu.memory_space<hbm>>
    %dma_start3A_197 = arith.constant 0 : i32
    %dma_start3A_198 = arith.constant 0 : i32
    %dma_start3A_199 = tpu.memref_slice %arg9[%dma_start3A_185, %dma_start3A_197, %dma_start3A_198] : memref<3x128x128xf32, #tpu.memory_space<vmem>> -> memref<1x128x128xf32, #tpu.memory_space<vmem>>
    %dma_start3A_200 = tpu.memref_squeeze %dma_start3A_199 : memref<1x128x128xf32, #tpu.memory_space<vmem>> -> memref<128x128xf32, #tpu.memory_space<vmem>>
    tpu.enqueue_dma source(%dma_start3A_200 : memref<128x128xf32, #tpu.memory_space<vmem>>) target(%dma_start3A_196 : memref<128x128xf32, #tpu.memory_space<hbm>>) target_semaphore(%dma_start3A_194 : memref<!tpu.dma_semaphore, #tpu.memory_space<semaphore_mem>>)
    %dma_wait3A_201 = arith.constant 0 : i32
    %dma_wait3A_202 = arith.constant 0 : i32
    %dma_wait3A_203 = arith.constant 0 : i32
    %dma_wait3A_204 = arith.constant 0 : i32
    %dma_wait3A_205 = tpu.memref_slice %arg9[%dma_wait3A_201, %dma_wait3A_203, %dma_wait3A_204] : memref<3x128x128xf32, #tpu.memory_space<vmem>> -> memref<1x128x128xf32, #tpu.memory_space<vmem>>
    %dma_wait3A_206 = tpu.memref_squeeze %dma_wait3A_205 : memref<1x128x128xf32, #tpu.memory_space<vmem>> -> memref<128x128xf32, #tpu.memory_space<vmem>>
    %dma_wait3A_207 = arith.constant 384 : i32
    %dma_wait3A_208 = tpu.memref_slice %arg7[%dma_wait3A_207] : memref<1024xi32, #tpu.memory_space<vmem>> -> memref<128xi32, #tpu.memory_space<vmem>>
    %dma_wait3A_209 = arith.constant 0 : i32
    %dma_wait3A_210 = arith.constant 0 : i32
    %dma_wait3A_211 = tpu.memref_slice %arg2[%dma_wait3A_209, %dma_wait3A_210] : memref<262144x128xf32, #tpu.memory_space<hbm>> -> memref<262144x128xf32, #tpu.memory_space<hbm>>
    %dma_wait3A_212 = tpu.memref_slice %arg10[%dma_wait3A_202] : memref<3x!tpu.dma_semaphore, #tpu.memory_space<semaphore_mem>> -> memref<1x!tpu.dma_semaphore, #tpu.memory_space<semaphore_mem>>
    %dma_wait3A_213 = tpu.memref_squeeze %dma_wait3A_212 : memref<1x!tpu.dma_semaphore, #tpu.memory_space<semaphore_mem>> -> memref<!tpu.dma_semaphore, #tpu.memory_space<semaphore_mem>>
    tpu.wait_indirect_dma semaphore(%dma_wait3A_213 : memref<!tpu.dma_semaphore, #tpu.memory_space<semaphore_mem>>) src(%dma_wait3A_211 : memref<262144x128xf32, #tpu.memory_space<hbm>>) dst(%dma_wait3A_206 : memref<128x128xf32, #tpu.memory_space<vmem>>)
    %add3A_214 = arith.constant 256 : i32
    %add3A_215 = arith.addi %mul3A_2, %add3A_214 : i32
    %dma_wait3A_216 = arith.constant 2 : i32
    %dma_wait3A_217 = arith.constant 2 : i32
    %dma_wait3A_218 = arith.constant 0 : i32
    %dma_wait3A_219 = arith.constant 0 : i32
    %dma_wait3A_220 = tpu.memref_slice %arg9[%dma_wait3A_216, %dma_wait3A_218, %dma_wait3A_219] : memref<3x128x128xf32, #tpu.memory_space<vmem>> -> memref<1x128x128xf32, #tpu.memory_space<vmem>>
    %dma_wait3A_221 = tpu.memref_squeeze %dma_wait3A_220 : memref<1x128x128xf32, #tpu.memory_space<vmem>> -> memref<128x128xf32, #tpu.memory_space<vmem>>
    %dma_wait3A_222 = arith.constant 0 : i32
    %dma_wait3A_223 = tpu.memref_slice %arg5[%add3A_215, %dma_wait3A_222] : memref<32768x128xf32, #tpu.memory_space<hbm>> -> memref<128x128xf32, #tpu.memory_space<hbm>>
    %dma_wait3A_224 = tpu.memref_slice %arg11[%dma_wait3A_217] : memref<3x!tpu.dma_semaphore, #tpu.memory_space<semaphore_mem>> -> memref<1x!tpu.dma_semaphore, #tpu.memory_space<semaphore_mem>>
    %dma_wait3A_225 = tpu.memref_squeeze %dma_wait3A_224 : memref<1x!tpu.dma_semaphore, #tpu.memory_space<semaphore_mem>> -> memref<!tpu.dma_semaphore, #tpu.memory_space<semaphore_mem>>
    %dma_wait3A_226 = arith.constant 0 : i32
    %dma_wait3A_227 = tpu.memref_slice %arg5[%add3A_215, %dma_wait3A_226] : memref<32768x128xf32, #tpu.memory_space<hbm>> -> memref<128x128xf32, #tpu.memory_space<hbm>>
    %dma_wait3A_228 = arith.constant 0 : i32
    %dma_wait3A_229 = arith.constant 0 : i32
    %dma_wait3A_230 = tpu.memref_slice %arg9[%dma_wait3A_216, %dma_wait3A_228, %dma_wait3A_229] : memref<3x128x128xf32, #tpu.memory_space<vmem>> -> memref<1x128x128xf32, #tpu.memory_space<vmem>>
    %dma_wait3A_231 = tpu.memref_squeeze %dma_wait3A_230 : memref<1x128x128xf32, #tpu.memory_space<vmem>> -> memref<128x128xf32, #tpu.memory_space<vmem>>
    tpu.wait_dma2 semaphore(%dma_wait3A_225 : memref<!tpu.dma_semaphore, #tpu.memory_space<semaphore_mem>>) src(%dma_wait3A_231 : memref<128x128xf32, #tpu.memory_space<vmem>>) dst(%dma_wait3A_227 : memref<128x128xf32, #tpu.memory_space<hbm>>)
    %dma_start3A_232 = arith.constant 2 : i32
    %dma_start3A_233 = arith.constant 2 : i32
    %dma_start3A_234 = arith.constant 0 : i32
    %dma_start3A_235 = arith.constant 0 : i32
    %dma_start3A_236 = tpu.memref_slice %arg9[%dma_start3A_232, %dma_start3A_234, %dma_start3A_235] : memref<3x128x128xf32, #tpu.memory_space<vmem>> -> memref<1x128x128xf32, #tpu.memory_space<vmem>>
    %dma_start3A_237 = tpu.memref_squeeze %dma_start3A_236 : memref<1x128x128xf32, #tpu.memory_space<vmem>> -> memref<128x128xf32, #tpu.memory_space<vmem>>
    %dma_start3A_238 = arith.constant 640 : i32
    %dma_start3A_239 = tpu.memref_slice %arg7[%dma_start3A_238] : memref<1024xi32, #tpu.memory_space<vmem>> -> memref<128xi32, #tpu.memory_space<vmem>>
    %dma_start3A_240 = arith.constant 0 : i32
    %dma_start3A_241 = arith.constant 0 : i32
    %dma_start3A_242 = tpu.memref_slice %arg2[%dma_start3A_240, %dma_start3A_241] : memref<262144x128xf32, #tpu.memory_space<hbm>> -> memref<262144x128xf32, #tpu.memory_space<hbm>>
    %dma_start3A_243 = tpu.memref_slice %arg10[%dma_start3A_233] : memref<3x!tpu.dma_semaphore, #tpu.memory_space<semaphore_mem>> -> memref<1x!tpu.dma_semaphore, #tpu.memory_space<semaphore_mem>>
    %dma_start3A_244 = tpu.memref_squeeze %dma_start3A_243 : memref<1x!tpu.dma_semaphore, #tpu.memory_space<semaphore_mem>> -> memref<!tpu.dma_semaphore, #tpu.memory_space<semaphore_mem>>
    tpu.enqueue_indirect_dma source(%dma_start3A_242 : memref<262144x128xf32, #tpu.memory_space<hbm>>) target(%dma_start3A_237 : memref<128x128xf32, #tpu.memory_space<vmem>>) offsets(%dma_start3A_239 : memref<128xi32, #tpu.memory_space<vmem>>) semaphore(%dma_start3A_244 : memref<!tpu.dma_semaphore, #tpu.memory_space<semaphore_mem>>)
    %add3A_245 = arith.constant 384 : i32
    %add3A_246 = arith.addi %mul3A_2, %add3A_245 : i32
    %dma_start3A_247 = arith.constant 0 : i32
    %dma_start3A_248 = arith.constant 0 : i32
    %dma_start3A_249 = arith.constant 0 : i32
    %dma_start3A_250 = arith.constant 0 : i32
    %dma_start3A_251 = tpu.memref_slice %arg9[%dma_start3A_247, %dma_start3A_249, %dma_start3A_250] : memref<3x128x128xf32, #tpu.memory_space<vmem>> -> memref<1x128x128xf32, #tpu.memory_space<vmem>>
    %dma_start3A_252 = tpu.memref_squeeze %dma_start3A_251 : memref<1x128x128xf32, #tpu.memory_space<vmem>> -> memref<128x128xf32, #tpu.memory_space<vmem>>
    %dma_start3A_253 = arith.constant 0 : i32
    %dma_start3A_254 = tpu.memref_slice %arg5[%add3A_246, %dma_start3A_253] : memref<32768x128xf32, #tpu.memory_space<hbm>> -> memref<128x128xf32, #tpu.memory_space<hbm>>
    %dma_start3A_255 = tpu.memref_slice %arg11[%dma_start3A_248] : memref<3x!tpu.dma_semaphore, #tpu.memory_space<semaphore_mem>> -> memref<1x!tpu.dma_semaphore, #tpu.memory_space<semaphore_mem>>
    %dma_start3A_256 = tpu.memref_squeeze %dma_start3A_255 : memref<1x!tpu.dma_semaphore, #tpu.memory_space<semaphore_mem>> -> memref<!tpu.dma_semaphore, #tpu.memory_space<semaphore_mem>>
    %dma_start3A_257 = arith.constant 0 : i32
    %dma_start3A_258 = tpu.memref_slice %arg5[%add3A_246, %dma_start3A_257] : memref<32768x128xf32, #tpu.memory_space<hbm>> -> memref<128x128xf32, #tpu.memory_space<hbm>>
    %dma_start3A_259 = arith.constant 0 : i32
    %dma_start3A_260 = arith.constant 0 : i32
    %dma_start3A_261 = tpu.memref_slice %arg9[%dma_start3A_247, %dma_start3A_259, %dma_start3A_260] : memref<3x128x128xf32, #tpu.memory_space<vmem>> -> memref<1x128x128xf32, #tpu.memory_space<vmem>>
    %dma_start3A_262 = tpu.memref_squeeze %dma_start3A_261 : memref<1x128x128xf32, #tpu.memory_space<vmem>> -> memref<128x128xf32, #tpu.memory_space<vmem>>
    tpu.enqueue_dma source(%dma_start3A_262 : memref<128x128xf32, #tpu.memory_space<vmem>>) target(%dma_start3A_258 : memref<128x128xf32, #tpu.memory_space<hbm>>) target_semaphore(%dma_start3A_256 : memref<!tpu.dma_semaphore, #tpu.memory_space<semaphore_mem>>)
    %dma_wait3A_263 = arith.constant 1 : i32
    %dma_wait3A_264 = arith.constant 1 : i32
    %dma_wait3A_265 = arith.constant 0 : i32
    %dma_wait3A_266 = arith.constant 0 : i32
    %dma_wait3A_267 = tpu.memref_slice %arg9[%dma_wait3A_263, %dma_wait3A_265, %dma_wait3A_266] : memref<3x128x128xf32, #tpu.memory_space<vmem>> -> memref<1x128x128xf32, #tpu.memory_space<vmem>>
    %dma_wait3A_268 = tpu.memref_squeeze %dma_wait3A_267 : memref<1x128x128xf32, #tpu.memory_space<vmem>> -> memref<128x128xf32, #tpu.memory_space<vmem>>
    %dma_wait3A_269 = arith.constant 512 : i32
    %dma_wait3A_270 = tpu.memref_slice %arg7[%dma_wait3A_269] : memref<1024xi32, #tpu.memory_space<vmem>> -> memref<128xi32, #tpu.memory_space<vmem>>
    %dma_wait3A_271 = arith.constant 0 : i32
    %dma_wait3A_272 = arith.constant 0 : i32
    %dma_wait3A_273 = tpu.memref_slice %arg2[%dma_wait3A_271, %dma_wait3A_272] : memref<262144x128xf32, #tpu.memory_space<hbm>> -> memref<262144x128xf32, #tpu.memory_space<hbm>>
    %dma_wait3A_274 = tpu.memref_slice %arg10[%dma_wait3A_264] : memref<3x!tpu.dma_semaphore, #tpu.memory_space<semaphore_mem>> -> memref<1x!tpu.dma_semaphore, #tpu.memory_space<semaphore_mem>>
    %dma_wait3A_275 = tpu.memref_squeeze %dma_wait3A_274 : memref<1x!tpu.dma_semaphore, #tpu.memory_space<semaphore_mem>> -> memref<!tpu.dma_semaphore, #tpu.memory_space<semaphore_mem>>
    tpu.wait_indirect_dma semaphore(%dma_wait3A_275 : memref<!tpu.dma_semaphore, #tpu.memory_space<semaphore_mem>>) src(%dma_wait3A_273 : memref<262144x128xf32, #tpu.memory_space<hbm>>) dst(%dma_wait3A_268 : memref<128x128xf32, #tpu.memory_space<vmem>>)
    %add3A_276 = arith.constant 384 : i32
    %add3A_277 = arith.addi %mul3A_2, %add3A_276 : i32
    %dma_wait3A_278 = arith.constant 0 : i32
    %dma_wait3A_279 = arith.constant 0 : i32
    %dma_wait3A_280 = arith.constant 0 : i32
    %dma_wait3A_281 = arith.constant 0 : i32
    %dma_wait3A_282 = tpu.memref_slice %arg9[%dma_wait3A_278, %dma_wait3A_280, %dma_wait3A_281] : memref<3x128x128xf32, #tpu.memory_space<vmem>> -> memref<1x128x128xf32, #tpu.memory_space<vmem>>
    %dma_wait3A_283 = tpu.memref_squeeze %dma_wait3A_282 : memref<1x128x128xf32, #tpu.memory_space<vmem>> -> memref<128x128xf32, #tpu.memory_space<vmem>>
    %dma_wait3A_284 = arith.constant 0 : i32
    %dma_wait3A_285 = tpu.memref_slice %arg5[%add3A_277, %dma_wait3A_284] : memref<32768x128xf32, #tpu.memory_space<hbm>> -> memref<128x128xf32, #tpu.memory_space<hbm>>
    %dma_wait3A_286 = tpu.memref_slice %arg11[%dma_wait3A_279] : memref<3x!tpu.dma_semaphore, #tpu.memory_space<semaphore_mem>> -> memref<1x!tpu.dma_semaphore, #tpu.memory_space<semaphore_mem>>
    %dma_wait3A_287 = tpu.memref_squeeze %dma_wait3A_286 : memref<1x!tpu.dma_semaphore, #tpu.memory_space<semaphore_mem>> -> memref<!tpu.dma_semaphore, #tpu.memory_space<semaphore_mem>>
    %dma_wait3A_288 = arith.constant 0 : i32
    %dma_wait3A_289 = tpu.memref_slice %arg5[%add3A_277, %dma_wait3A_288] : memref<32768x128xf32, #tpu.memory_space<hbm>> -> memref<128x128xf32, #tpu.memory_space<hbm>>
    %dma_wait3A_290 = arith.constant 0 : i32
    %dma_wait3A_291 = arith.constant 0 : i32
    %dma_wait3A_292 = tpu.memref_slice %arg9[%dma_wait3A_278, %dma_wait3A_290, %dma_wait3A_291] : memref<3x128x128xf32, #tpu.memory_space<vmem>> -> memref<1x128x128xf32, #tpu.memory_space<vmem>>
    %dma_wait3A_293 = tpu.memref_squeeze %dma_wait3A_292 : memref<1x128x128xf32, #tpu.memory_space<vmem>> -> memref<128x128xf32, #tpu.memory_space<vmem>>
    tpu.wait_dma2 semaphore(%dma_wait3A_287 : memref<!tpu.dma_semaphore, #tpu.memory_space<semaphore_mem>>) src(%dma_wait3A_293 : memref<128x128xf32, #tpu.memory_space<vmem>>) dst(%dma_wait3A_289 : memref<128x128xf32, #tpu.memory_space<hbm>>)
    %dma_start3A_294 = arith.constant 0 : i32
    %dma_start3A_295 = arith.constant 0 : i32
    %dma_start3A_296 = arith.constant 0 : i32
    %dma_start3A_297 = arith.constant 0 : i32
    %dma_start3A_298 = tpu.memref_slice %arg9[%dma_start3A_294, %dma_start3A_296, %dma_start3A_297] : memref<3x128x128xf32, #tpu.memory_space<vmem>> -> memref<1x128x128xf32, #tpu.memory_space<vmem>>
    %dma_start3A_299 = tpu.memref_squeeze %dma_start3A_298 : memref<1x128x128xf32, #tpu.memory_space<vmem>> -> memref<128x128xf32, #tpu.memory_space<vmem>>
    %dma_start3A_300 = arith.constant 768 : i32
    %dma_start3A_301 = tpu.memref_slice %arg7[%dma_start3A_300] : memref<1024xi32, #tpu.memory_space<vmem>> -> memref<128xi32, #tpu.memory_space<vmem>>
    %dma_start3A_302 = arith.constant 0 : i32
    %dma_start3A_303 = arith.constant 0 : i32
    %dma_start3A_304 = tpu.memref_slice %arg2[%dma_start3A_302, %dma_start3A_303] : memref<262144x128xf32, #tpu.memory_space<hbm>> -> memref<262144x128xf32, #tpu.memory_space<hbm>>
    %dma_start3A_305 = tpu.memref_slice %arg10[%dma_start3A_295] : memref<3x!tpu.dma_semaphore, #tpu.memory_space<semaphore_mem>> -> memref<1x!tpu.dma_semaphore, #tpu.memory_space<semaphore_mem>>
    %dma_start3A_306 = tpu.memref_squeeze %dma_start3A_305 : memref<1x!tpu.dma_semaphore, #tpu.memory_space<semaphore_mem>> -> memref<!tpu.dma_semaphore, #tpu.memory_space<semaphore_mem>>
    tpu.enqueue_indirect_dma source(%dma_start3A_304 : memref<262144x128xf32, #tpu.memory_space<hbm>>) target(%dma_start3A_299 : memref<128x128xf32, #tpu.memory_space<vmem>>) offsets(%dma_start3A_301 : memref<128xi32, #tpu.memory_space<vmem>>) semaphore(%dma_start3A_306 : memref<!tpu.dma_semaphore, #tpu.memory_space<semaphore_mem>>)
    %add3A_307 = arith.constant 512 : i32
    %add3A_308 = arith.addi %mul3A_2, %add3A_307 : i32
    %dma_start3A_309 = arith.constant 1 : i32
    %dma_start3A_310 = arith.constant 1 : i32
    %dma_start3A_311 = arith.constant 0 : i32
    %dma_start3A_312 = arith.constant 0 : i32
    %dma_start3A_313 = tpu.memref_slice %arg9[%dma_start3A_309, %dma_start3A_311, %dma_start3A_312] : memref<3x128x128xf32, #tpu.memory_space<vmem>> -> memref<1x128x128xf32, #tpu.memory_space<vmem>>
    %dma_start3A_314 = tpu.memref_squeeze %dma_start3A_313 : memref<1x128x128xf32, #tpu.memory_space<vmem>> -> memref<128x128xf32, #tpu.memory_space<vmem>>
    %dma_start3A_315 = arith.constant 0 : i32
    %dma_start3A_316 = tpu.memref_slice %arg5[%add3A_308, %dma_start3A_315] : memref<32768x128xf32, #tpu.memory_space<hbm>> -> memref<128x128xf32, #tpu.memory_space<hbm>>
    %dma_start3A_317 = tpu.memref_slice %arg11[%dma_start3A_310] : memref<3x!tpu.dma_semaphore, #tpu.memory_space<semaphore_mem>> -> memref<1x!tpu.dma_semaphore, #tpu.memory_space<semaphore_mem>>
    %dma_start3A_318 = tpu.memref_squeeze %dma_start3A_317 : memref<1x!tpu.dma_semaphore, #tpu.memory_space<semaphore_mem>> -> memref<!tpu.dma_semaphore, #tpu.memory_space<semaphore_mem>>
    %dma_start3A_319 = arith.constant 0 : i32
    %dma_start3A_320 = tpu.memref_slice %arg5[%add3A_308, %dma_start3A_319] : memref<32768x128xf32, #tpu.memory_space<hbm>> -> memref<128x128xf32, #tpu.memory_space<hbm>>
    %dma_start3A_321 = arith.constant 0 : i32
    %dma_start3A_322 = arith.constant 0 : i32
    %dma_start3A_323 = tpu.memref_slice %arg9[%dma_start3A_309, %dma_start3A_321, %dma_start3A_322] : memref<3x128x128xf32, #tpu.memory_space<vmem>> -> memref<1x128x128xf32, #tpu.memory_space<vmem>>
    %dma_start3A_324 = tpu.memref_squeeze %dma_start3A_323 : memref<1x128x128xf32, #tpu.memory_space<vmem>> -> memref<128x128xf32, #tpu.memory_space<vmem>>
    tpu.enqueue_dma source(%dma_start3A_324 : memref<128x128xf32, #tpu.memory_space<vmem>>) target(%dma_start3A_320 : memref<128x128xf32, #tpu.memory_space<hbm>>) target_semaphore(%dma_start3A_318 : memref<!tpu.dma_semaphore, #tpu.memory_space<semaphore_mem>>)
    %dma_wait3A_325 = arith.constant 2 : i32
    %dma_wait3A_326 = arith.constant 2 : i32
    %dma_wait3A_327 = arith.constant 0 : i32
    %dma_wait3A_328 = arith.constant 0 : i32
    %dma_wait3A_329 = tpu.memref_slice %arg9[%dma_wait3A_325, %dma_wait3A_327, %dma_wait3A_328] : memref<3x128x128xf32, #tpu.memory_space<vmem>> -> memref<1x128x128xf32, #tpu.memory_space<vmem>>
    %dma_wait3A_330 = tpu.memref_squeeze %dma_wait3A_329 : memref<1x128x128xf32, #tpu.memory_space<vmem>> -> memref<128x128xf32, #tpu.memory_space<vmem>>
    %dma_wait3A_331 = arith.constant 640 : i32
    %dma_wait3A_332 = tpu.memref_slice %arg7[%dma_wait3A_331] : memref<1024xi32, #tpu.memory_space<vmem>> -> memref<128xi32, #tpu.memory_space<vmem>>
    %dma_wait3A_333 = arith.constant 0 : i32
    %dma_wait3A_334 = arith.constant 0 : i32
    %dma_wait3A_335 = tpu.memref_slice %arg2[%dma_wait3A_333, %dma_wait3A_334] : memref<262144x128xf32, #tpu.memory_space<hbm>> -> memref<262144x128xf32, #tpu.memory_space<hbm>>
    %dma_wait3A_336 = tpu.memref_slice %arg10[%dma_wait3A_326] : memref<3x!tpu.dma_semaphore, #tpu.memory_space<semaphore_mem>> -> memref<1x!tpu.dma_semaphore, #tpu.memory_space<semaphore_mem>>
    %dma_wait3A_337 = tpu.memref_squeeze %dma_wait3A_336 : memref<1x!tpu.dma_semaphore, #tpu.memory_space<semaphore_mem>> -> memref<!tpu.dma_semaphore, #tpu.memory_space<semaphore_mem>>
    tpu.wait_indirect_dma semaphore(%dma_wait3A_337 : memref<!tpu.dma_semaphore, #tpu.memory_space<semaphore_mem>>) src(%dma_wait3A_335 : memref<262144x128xf32, #tpu.memory_space<hbm>>) dst(%dma_wait3A_330 : memref<128x128xf32, #tpu.memory_space<vmem>>)
    %add3A_338 = arith.constant 512 : i32
    %add3A_339 = arith.addi %mul3A_2, %add3A_338 : i32
    %dma_wait3A_340 = arith.constant 1 : i32
    %dma_wait3A_341 = arith.constant 1 : i32
    %dma_wait3A_342 = arith.constant 0 : i32
    %dma_wait3A_343 = arith.constant 0 : i32
    %dma_wait3A_344 = tpu.memref_slice %arg9[%dma_wait3A_340, %dma_wait3A_342, %dma_wait3A_343] : memref<3x128x128xf32, #tpu.memory_space<vmem>> -> memref<1x128x128xf32, #tpu.memory_space<vmem>>
    %dma_wait3A_345 = tpu.memref_squeeze %dma_wait3A_344 : memref<1x128x128xf32, #tpu.memory_space<vmem>> -> memref<128x128xf32, #tpu.memory_space<vmem>>
    %dma_wait3A_346 = arith.constant 0 : i32
    %dma_wait3A_347 = tpu.memref_slice %arg5[%add3A_339, %dma_wait3A_346] : memref<32768x128xf32, #tpu.memory_space<hbm>> -> memref<128x128xf32, #tpu.memory_space<hbm>>
    %dma_wait3A_348 = tpu.memref_slice %arg11[%dma_wait3A_341] : memref<3x!tpu.dma_semaphore, #tpu.memory_space<semaphore_mem>> -> memref<1x!tpu.dma_semaphore, #tpu.memory_space<semaphore_mem>>
    %dma_wait3A_349 = tpu.memref_squeeze %dma_wait3A_348 : memref<1x!tpu.dma_semaphore, #tpu.memory_space<semaphore_mem>> -> memref<!tpu.dma_semaphore, #tpu.memory_space<semaphore_mem>>
    %dma_wait3A_350 = arith.constant 0 : i32
    %dma_wait3A_351 = tpu.memref_slice %arg5[%add3A_339, %dma_wait3A_350] : memref<32768x128xf32, #tpu.memory_space<hbm>> -> memref<128x128xf32, #tpu.memory_space<hbm>>
    %dma_wait3A_352 = arith.constant 0 : i32
    %dma_wait3A_353 = arith.constant 0 : i32
    %dma_wait3A_354 = tpu.memref_slice %arg9[%dma_wait3A_340, %dma_wait3A_352, %dma_wait3A_353] : memref<3x128x128xf32, #tpu.memory_space<vmem>> -> memref<1x128x128xf32, #tpu.memory_space<vmem>>
    %dma_wait3A_355 = tpu.memref_squeeze %dma_wait3A_354 : memref<1x128x128xf32, #tpu.memory_space<vmem>> -> memref<128x128xf32, #tpu.memory_space<vmem>>
    tpu.wait_dma2 semaphore(%dma_wait3A_349 : memref<!tpu.dma_semaphore, #tpu.memory_space<semaphore_mem>>) src(%dma_wait3A_355 : memref<128x128xf32, #tpu.memory_space<vmem>>) dst(%dma_wait3A_351 : memref<128x128xf32, #tpu.memory_space<hbm>>)
    %dma_start3A_356 = arith.constant 1 : i32
    %dma_start3A_357 = arith.constant 1 : i32
    %dma_start3A_358 = arith.constant 0 : i32
    %dma_start3A_359 = arith.constant 0 : i32
    %dma_start3A_360 = tpu.memref_slice %arg9[%dma_start3A_356, %dma_start3A_358, %dma_start3A_359] : memref<3x128x128xf32, #tpu.memory_space<vmem>> -> memref<1x128x128xf32, #tpu.memory_space<vmem>>
    %dma_start3A_361 = tpu.memref_squeeze %dma_start3A_360 : memref<1x128x128xf32, #tpu.memory_space<vmem>> -> memref<128x128xf32, #tpu.memory_space<vmem>>
    %dma_start3A_362 = arith.constant 896 : i32
    %dma_start3A_363 = tpu.memref_slice %arg7[%dma_start3A_362] : memref<1024xi32, #tpu.memory_space<vmem>> -> memref<128xi32, #tpu.memory_space<vmem>>
    %dma_start3A_364 = arith.constant 0 : i32
    %dma_start3A_365 = arith.constant 0 : i32
    %dma_start3A_366 = tpu.memref_slice %arg2[%dma_start3A_364, %dma_start3A_365] : memref<262144x128xf32, #tpu.memory_space<hbm>> -> memref<262144x128xf32, #tpu.memory_space<hbm>>
    %dma_start3A_367 = tpu.memref_slice %arg10[%dma_start3A_357] : memref<3x!tpu.dma_semaphore, #tpu.memory_space<semaphore_mem>> -> memref<1x!tpu.dma_semaphore, #tpu.memory_space<semaphore_mem>>
    %dma_start3A_368 = tpu.memref_squeeze %dma_start3A_367 : memref<1x!tpu.dma_semaphore, #tpu.memory_space<semaphore_mem>> -> memref<!tpu.dma_semaphore, #tpu.memory_space<semaphore_mem>>
    tpu.enqueue_indirect_dma source(%dma_start3A_366 : memref<262144x128xf32, #tpu.memory_space<hbm>>) target(%dma_start3A_361 : memref<128x128xf32, #tpu.memory_space<vmem>>) offsets(%dma_start3A_363 : memref<128xi32, #tpu.memory_space<vmem>>) semaphore(%dma_start3A_368 : memref<!tpu.dma_semaphore, #tpu.memory_space<semaphore_mem>>)
    %add3A_369 = arith.constant 640 : i32
    %add3A_370 = arith.addi %mul3A_2, %add3A_369 : i32
    %dma_start3A_371 = arith.constant 2 : i32
    %dma_start3A_372 = arith.constant 2 : i32
    %dma_start3A_373 = arith.constant 0 : i32
    %dma_start3A_374 = arith.constant 0 : i32
    %dma_start3A_375 = tpu.memref_slice %arg9[%dma_start3A_371, %dma_start3A_373, %dma_start3A_374] : memref<3x128x128xf32, #tpu.memory_space<vmem>> -> memref<1x128x128xf32, #tpu.memory_space<vmem>>
    %dma_start3A_376 = tpu.memref_squeeze %dma_start3A_375 : memref<1x128x128xf32, #tpu.memory_space<vmem>> -> memref<128x128xf32, #tpu.memory_space<vmem>>
    %dma_start3A_377 = arith.constant 0 : i32
    %dma_start3A_378 = tpu.memref_slice %arg5[%add3A_370, %dma_start3A_377] : memref<32768x128xf32, #tpu.memory_space<hbm>> -> memref<128x128xf32, #tpu.memory_space<hbm>>
    %dma_start3A_379 = tpu.memref_slice %arg11[%dma_start3A_372] : memref<3x!tpu.dma_semaphore, #tpu.memory_space<semaphore_mem>> -> memref<1x!tpu.dma_semaphore, #tpu.memory_space<semaphore_mem>>
    %dma_start3A_380 = tpu.memref_squeeze %dma_start3A_379 : memref<1x!tpu.dma_semaphore, #tpu.memory_space<semaphore_mem>> -> memref<!tpu.dma_semaphore, #tpu.memory_space<semaphore_mem>>
    %dma_start3A_381 = arith.constant 0 : i32
    %dma_start3A_382 = tpu.memref_slice %arg5[%add3A_370, %dma_start3A_381] : memref<32768x128xf32, #tpu.memory_space<hbm>> -> memref<128x128xf32, #tpu.memory_space<hbm>>
    %dma_start3A_383 = arith.constant 0 : i32
    %dma_start3A_384 = arith.constant 0 : i32
    %dma_start3A_385 = tpu.memref_slice %arg9[%dma_start3A_371, %dma_start3A_383, %dma_start3A_384] : memref<3x128x128xf32, #tpu.memory_space<vmem>> -> memref<1x128x128xf32, #tpu.memory_space<vmem>>
    %dma_start3A_386 = tpu.memref_squeeze %dma_start3A_385 : memref<1x128x128xf32, #tpu.memory_space<vmem>> -> memref<128x128xf32, #tpu.memory_space<vmem>>
    tpu.enqueue_dma source(%dma_start3A_386 : memref<128x128xf32, #tpu.memory_space<vmem>>) target(%dma_start3A_382 : memref<128x128xf32, #tpu.memory_space<hbm>>) target_semaphore(%dma_start3A_380 : memref<!tpu.dma_semaphore, #tpu.memory_space<semaphore_mem>>)
    %dma_wait3A_387 = arith.constant 0 : i32
    %dma_wait3A_388 = arith.constant 0 : i32
    %dma_wait3A_389 = arith.constant 0 : i32
    %dma_wait3A_390 = arith.constant 0 : i32
    %dma_wait3A_391 = tpu.memref_slice %arg9[%dma_wait3A_387, %dma_wait3A_389, %dma_wait3A_390] : memref<3x128x128xf32, #tpu.memory_space<vmem>> -> memref<1x128x128xf32, #tpu.memory_space<vmem>>
    %dma_wait3A_392 = tpu.memref_squeeze %dma_wait3A_391 : memref<1x128x128xf32, #tpu.memory_space<vmem>> -> memref<128x128xf32, #tpu.memory_space<vmem>>
    %dma_wait3A_393 = arith.constant 768 : i32
    %dma_wait3A_394 = tpu.memref_slice %arg7[%dma_wait3A_393] : memref<1024xi32, #tpu.memory_space<vmem>> -> memref<128xi32, #tpu.memory_space<vmem>>
    %dma_wait3A_395 = arith.constant 0 : i32
    %dma_wait3A_396 = arith.constant 0 : i32
    %dma_wait3A_397 = tpu.memref_slice %arg2[%dma_wait3A_395, %dma_wait3A_396] : memref<262144x128xf32, #tpu.memory_space<hbm>> -> memref<262144x128xf32, #tpu.memory_space<hbm>>
    %dma_wait3A_398 = tpu.memref_slice %arg10[%dma_wait3A_388] : memref<3x!tpu.dma_semaphore, #tpu.memory_space<semaphore_mem>> -> memref<1x!tpu.dma_semaphore, #tpu.memory_space<semaphore_mem>>
    %dma_wait3A_399 = tpu.memref_squeeze %dma_wait3A_398 : memref<1x!tpu.dma_semaphore, #tpu.memory_space<semaphore_mem>> -> memref<!tpu.dma_semaphore, #tpu.memory_space<semaphore_mem>>
    tpu.wait_indirect_dma semaphore(%dma_wait3A_399 : memref<!tpu.dma_semaphore, #tpu.memory_space<semaphore_mem>>) src(%dma_wait3A_397 : memref<262144x128xf32, #tpu.memory_space<hbm>>) dst(%dma_wait3A_392 : memref<128x128xf32, #tpu.memory_space<vmem>>)
    %add3A_400 = arith.constant 768 : i32
    %add3A_401 = arith.addi %mul3A_2, %add3A_400 : i32
    %dma_start3A_402 = arith.constant 0 : i32
    %dma_start3A_403 = arith.constant 0 : i32
    %dma_start3A_404 = arith.constant 0 : i32
    %dma_start3A_405 = arith.constant 0 : i32
    %dma_start3A_406 = tpu.memref_slice %arg9[%dma_start3A_402, %dma_start3A_404, %dma_start3A_405] : memref<3x128x128xf32, #tpu.memory_space<vmem>> -> memref<1x128x128xf32, #tpu.memory_space<vmem>>
    %dma_start3A_407 = tpu.memref_squeeze %dma_start3A_406 : memref<1x128x128xf32, #tpu.memory_space<vmem>> -> memref<128x128xf32, #tpu.memory_space<vmem>>
    %dma_start3A_408 = arith.constant 0 : i32
    %dma_start3A_409 = tpu.memref_slice %arg5[%add3A_401, %dma_start3A_408] : memref<32768x128xf32, #tpu.memory_space<hbm>> -> memref<128x128xf32, #tpu.memory_space<hbm>>
    %dma_start3A_410 = tpu.memref_slice %arg11[%dma_start3A_403] : memref<3x!tpu.dma_semaphore, #tpu.memory_space<semaphore_mem>> -> memref<1x!tpu.dma_semaphore, #tpu.memory_space<semaphore_mem>>
    %dma_start3A_411 = tpu.memref_squeeze %dma_start3A_410 : memref<1x!tpu.dma_semaphore, #tpu.memory_space<semaphore_mem>> -> memref<!tpu.dma_semaphore, #tpu.memory_space<semaphore_mem>>
    %dma_start3A_412 = arith.constant 0 : i32
    %dma_start3A_413 = tpu.memref_slice %arg5[%add3A_401, %dma_start3A_412] : memref<32768x128xf32, #tpu.memory_space<hbm>> -> memref<128x128xf32, #tpu.memory_space<hbm>>
    %dma_start3A_414 = arith.constant 0 : i32
    %dma_start3A_415 = arith.constant 0 : i32
    %dma_start3A_416 = tpu.memref_slice %arg9[%dma_start3A_402, %dma_start3A_414, %dma_start3A_415] : memref<3x128x128xf32, #tpu.memory_space<vmem>> -> memref<1x128x128xf32, #tpu.memory_space<vmem>>
    %dma_start3A_417 = tpu.memref_squeeze %dma_start3A_416 : memref<1x128x128xf32, #tpu.memory_space<vmem>> -> memref<128x128xf32, #tpu.memory_space<vmem>>
    tpu.enqueue_dma source(%dma_start3A_417 : memref<128x128xf32, #tpu.memory_space<vmem>>) target(%dma_start3A_413 : memref<128x128xf32, #tpu.memory_space<hbm>>) target_semaphore(%dma_start3A_411 : memref<!tpu.dma_semaphore, #tpu.memory_space<semaphore_mem>>)
    %dma_wait3A_418 = arith.constant 1 : i32
    %dma_wait3A_419 = arith.constant 1 : i32
    %dma_wait3A_420 = arith.constant 0 : i32
    %dma_wait3A_421 = arith.constant 0 : i32
    %dma_wait3A_422 = tpu.memref_slice %arg9[%dma_wait3A_418, %dma_wait3A_420, %dma_wait3A_421] : memref<3x128x128xf32, #tpu.memory_space<vmem>> -> memref<1x128x128xf32, #tpu.memory_space<vmem>>
    %dma_wait3A_423 = tpu.memref_squeeze %dma_wait3A_422 : memref<1x128x128xf32, #tpu.memory_space<vmem>> -> memref<128x128xf32, #tpu.memory_space<vmem>>
    %dma_wait3A_424 = arith.constant 896 : i32
    %dma_wait3A_425 = tpu.memref_slice %arg7[%dma_wait3A_424] : memref<1024xi32, #tpu.memory_space<vmem>> -> memref<128xi32, #tpu.memory_space<vmem>>
    %dma_wait3A_426 = arith.constant 0 : i32
    %dma_wait3A_427 = arith.constant 0 : i32
    %dma_wait3A_428 = tpu.memref_slice %arg2[%dma_wait3A_426, %dma_wait3A_427] : memref<262144x128xf32, #tpu.memory_space<hbm>> -> memref<262144x128xf32, #tpu.memory_space<hbm>>
    %dma_wait3A_429 = tpu.memref_slice %arg10[%dma_wait3A_419] : memref<3x!tpu.dma_semaphore, #tpu.memory_space<semaphore_mem>> -> memref<1x!tpu.dma_semaphore, #tpu.memory_space<semaphore_mem>>
    %dma_wait3A_430 = tpu.memref_squeeze %dma_wait3A_429 : memref<1x!tpu.dma_semaphore, #tpu.memory_space<semaphore_mem>> -> memref<!tpu.dma_semaphore, #tpu.memory_space<semaphore_mem>>
    tpu.wait_indirect_dma semaphore(%dma_wait3A_430 : memref<!tpu.dma_semaphore, #tpu.memory_space<semaphore_mem>>) src(%dma_wait3A_428 : memref<262144x128xf32, #tpu.memory_space<hbm>>) dst(%dma_wait3A_423 : memref<128x128xf32, #tpu.memory_space<vmem>>)
    %add3A_431 = arith.constant 896 : i32
    %add3A_432 = arith.addi %mul3A_2, %add3A_431 : i32
    %dma_start3A_433 = arith.constant 1 : i32
    %dma_start3A_434 = arith.constant 1 : i32
    %dma_start3A_435 = arith.constant 0 : i32
    %dma_start3A_436 = arith.constant 0 : i32
    %dma_start3A_437 = tpu.memref_slice %arg9[%dma_start3A_433, %dma_start3A_435, %dma_start3A_436] : memref<3x128x128xf32, #tpu.memory_space<vmem>> -> memref<1x128x128xf32, #tpu.memory_space<vmem>>
    %dma_start3A_438 = tpu.memref_squeeze %dma_start3A_437 : memref<1x128x128xf32, #tpu.memory_space<vmem>> -> memref<128x128xf32, #tpu.memory_space<vmem>>
    %dma_start3A_439 = arith.constant 0 : i32
    %dma_start3A_440 = tpu.memref_slice %arg5[%add3A_432, %dma_start3A_439] : memref<32768x128xf32, #tpu.memory_space<hbm>> -> memref<128x128xf32, #tpu.memory_space<hbm>>
    %dma_start3A_441 = tpu.memref_slice %arg11[%dma_start3A_434] : memref<3x!tpu.dma_semaphore, #tpu.memory_space<semaphore_mem>> -> memref<1x!tpu.dma_semaphore, #tpu.memory_space<semaphore_mem>>
    %dma_start3A_442 = tpu.memref_squeeze %dma_start3A_441 : memref<1x!tpu.dma_semaphore, #tpu.memory_space<semaphore_mem>> -> memref<!tpu.dma_semaphore, #tpu.memory_space<semaphore_mem>>
    %dma_start3A_443 = arith.constant 0 : i32
    %dma_start3A_444 = tpu.memref_slice %arg5[%add3A_432, %dma_start3A_443] : memref<32768x128xf32, #tpu.memory_space<hbm>> -> memref<128x128xf32, #tpu.memory_space<hbm>>
    %dma_start3A_445 = arith.constant 0 : i32
    %dma_start3A_446 = arith.constant 0 : i32
    %dma_start3A_447 = tpu.memref_slice %arg9[%dma_start3A_433, %dma_start3A_445, %dma_start3A_446] : memref<3x128x128xf32, #tpu.memory_space<vmem>> -> memref<1x128x128xf32, #tpu.memory_space<vmem>>
    %dma_start3A_448 = tpu.memref_squeeze %dma_start3A_447 : memref<1x128x128xf32, #tpu.memory_space<vmem>> -> memref<128x128xf32, #tpu.memory_space<vmem>>
    tpu.enqueue_dma source(%dma_start3A_448 : memref<128x128xf32, #tpu.memory_space<vmem>>) target(%dma_start3A_444 : memref<128x128xf32, #tpu.memory_space<hbm>>) target_semaphore(%dma_start3A_442 : memref<!tpu.dma_semaphore, #tpu.memory_space<semaphore_mem>>)
    %add3A_449 = arith.constant 640 : i32
    %add3A_450 = arith.addi %mul3A_2, %add3A_449 : i32
    %dma_wait3A_451 = arith.constant 2 : i32
    %dma_wait3A_452 = arith.constant 2 : i32
    %dma_wait3A_453 = arith.constant 0 : i32
    %dma_wait3A_454 = arith.constant 0 : i32
    %dma_wait3A_455 = tpu.memref_slice %arg9[%dma_wait3A_451, %dma_wait3A_453, %dma_wait3A_454] : memref<3x128x128xf32, #tpu.memory_space<vmem>> -> memref<1x128x128xf32, #tpu.memory_space<vmem>>
    %dma_wait3A_456 = tpu.memref_squeeze %dma_wait3A_455 : memref<1x128x128xf32, #tpu.memory_space<vmem>> -> memref<128x128xf32, #tpu.memory_space<vmem>>
    %dma_wait3A_457 = arith.constant 0 : i32
    %dma_wait3A_458 = tpu.memref_slice %arg5[%add3A_450, %dma_wait3A_457] : memref<32768x128xf32, #tpu.memory_space<hbm>> -> memref<128x128xf32, #tpu.memory_space<hbm>>
    %dma_wait3A_459 = tpu.memref_slice %arg11[%dma_wait3A_452] : memref<3x!tpu.dma_semaphore, #tpu.memory_space<semaphore_mem>> -> memref<1x!tpu.dma_semaphore, #tpu.memory_space<semaphore_mem>>
    %dma_wait3A_460 = tpu.memref_squeeze %dma_wait3A_459 : memref<1x!tpu.dma_semaphore, #tpu.memory_space<semaphore_mem>> -> memref<!tpu.dma_semaphore, #tpu.memory_space<semaphore_mem>>
    %dma_wait3A_461 = arith.constant 0 : i32
    %dma_wait3A_462 = tpu.memref_slice %arg5[%add3A_450, %dma_wait3A_461] : memref<32768x128xf32, #tpu.memory_space<hbm>> -> memref<128x128xf32, #tpu.memory_space<hbm>>
    %dma_wait3A_463 = arith.constant 0 : i32
    %dma_wait3A_464 = arith.constant 0 : i32
    %dma_wait3A_465 = tpu.memref_slice %arg9[%dma_wait3A_451, %dma_wait3A_463, %dma_wait3A_464] : memref<3x128x128xf32, #tpu.memory_space<vmem>> -> memref<1x128x128xf32, #tpu.memory_space<vmem>>
    %dma_wait3A_466 = tpu.memref_squeeze %dma_wait3A_465 : memref<1x128x128xf32, #tpu.memory_space<vmem>> -> memref<128x128xf32, #tpu.memory_space<vmem>>
    tpu.wait_dma2 semaphore(%dma_wait3A_460 : memref<!tpu.dma_semaphore, #tpu.memory_space<semaphore_mem>>) src(%dma_wait3A_466 : memref<128x128xf32, #tpu.memory_space<vmem>>) dst(%dma_wait3A_462 : memref<128x128xf32, #tpu.memory_space<hbm>>)
    %add3A_467 = arith.constant 768 : i32
    %add3A_468 = arith.addi %mul3A_2, %add3A_467 : i32
    %dma_wait3A_469 = arith.constant 0 : i32
    %dma_wait3A_470 = arith.constant 0 : i32
    %dma_wait3A_471 = arith.constant 0 : i32
    %dma_wait3A_472 = arith.constant 0 : i32
    %dma_wait3A_473 = tpu.memref_slice %arg9[%dma_wait3A_469, %dma_wait3A_471, %dma_wait3A_472] : memref<3x128x128xf32, #tpu.memory_space<vmem>> -> memref<1x128x128xf32, #tpu.memory_space<vmem>>
    %dma_wait3A_474 = tpu.memref_squeeze %dma_wait3A_473 : memref<1x128x128xf32, #tpu.memory_space<vmem>> -> memref<128x128xf32, #tpu.memory_space<vmem>>
    %dma_wait3A_475 = arith.constant 0 : i32
    %dma_wait3A_476 = tpu.memref_slice %arg5[%add3A_468, %dma_wait3A_475] : memref<32768x128xf32, #tpu.memory_space<hbm>> -> memref<128x128xf32, #tpu.memory_space<hbm>>
    %dma_wait3A_477 = tpu.memref_slice %arg11[%dma_wait3A_470] : memref<3x!tpu.dma_semaphore, #tpu.memory_space<semaphore_mem>> -> memref<1x!tpu.dma_semaphore, #tpu.memory_space<semaphore_mem>>
    %dma_wait3A_478 = tpu.memref_squeeze %dma_wait3A_477 : memref<1x!tpu.dma_semaphore, #tpu.memory_space<semaphore_mem>> -> memref<!tpu.dma_semaphore, #tpu.memory_space<semaphore_mem>>
    %dma_wait3A_479 = arith.constant 0 : i32
    %dma_wait3A_480 = tpu.memref_slice %arg5[%add3A_468, %dma_wait3A_479] : memref<32768x128xf32, #tpu.memory_space<hbm>> -> memref<128x128xf32, #tpu.memory_space<hbm>>
    %dma_wait3A_481 = arith.constant 0 : i32
    %dma_wait3A_482 = arith.constant 0 : i32
    %dma_wait3A_483 = tpu.memref_slice %arg9[%dma_wait3A_469, %dma_wait3A_481, %dma_wait3A_482] : memref<3x128x128xf32, #tpu.memory_space<vmem>> -> memref<1x128x128xf32, #tpu.memory_space<vmem>>
    %dma_wait3A_484 = tpu.memref_squeeze %dma_wait3A_483 : memref<1x128x128xf32, #tpu.memory_space<vmem>> -> memref<128x128xf32, #tpu.memory_space<vmem>>
    tpu.wait_dma2 semaphore(%dma_wait3A_478 : memref<!tpu.dma_semaphore, #tpu.memory_space<semaphore_mem>>) src(%dma_wait3A_484 : memref<128x128xf32, #tpu.memory_space<vmem>>) dst(%dma_wait3A_480 : memref<128x128xf32, #tpu.memory_space<hbm>>)
    %add3A_485 = arith.constant 896 : i32
    %add3A_486 = arith.addi %mul3A_2, %add3A_485 : i32
    %dma_wait3A_487 = arith.constant 1 : i32
    %dma_wait3A_488 = arith.constant 1 : i32
    %dma_wait3A_489 = arith.constant 0 : i32
    %dma_wait3A_490 = arith.constant 0 : i32
    %dma_wait3A_491 = tpu.memref_slice %arg9[%dma_wait3A_487, %dma_wait3A_489, %dma_wait3A_490] : memref<3x128x128xf32, #tpu.memory_space<vmem>> -> memref<1x128x128xf32, #tpu.memory_space<vmem>>
    %dma_wait3A_492 = tpu.memref_squeeze %dma_wait3A_491 : memref<1x128x128xf32, #tpu.memory_space<vmem>> -> memref<128x128xf32, #tpu.memory_space<vmem>>
    %dma_wait3A_493 = arith.constant 0 : i32
    %dma_wait3A_494 = tpu.memref_slice %arg5[%add3A_486, %dma_wait3A_493] : memref<32768x128xf32, #tpu.memory_space<hbm>> -> memref<128x128xf32, #tpu.memory_space<hbm>>
    %dma_wait3A_495 = tpu.memref_slice %arg11[%dma_wait3A_488] : memref<3x!tpu.dma_semaphore, #tpu.memory_space<semaphore_mem>> -> memref<1x!tpu.dma_semaphore, #tpu.memory_space<semaphore_mem>>
    %dma_wait3A_496 = tpu.memref_squeeze %dma_wait3A_495 : memref<1x!tpu.dma_semaphore, #tpu.memory_space<semaphore_mem>> -> memref<!tpu.dma_semaphore, #tpu.memory_space<semaphore_mem>>
    %dma_wait3A_497 = arith.constant 0 : i32
    %dma_wait3A_498 = tpu.memref_slice %arg5[%add3A_486, %dma_wait3A_497] : memref<32768x128xf32, #tpu.memory_space<hbm>> -> memref<128x128xf32, #tpu.memory_space<hbm>>
    %dma_wait3A_499 = arith.constant 0 : i32
    %dma_wait3A_500 = arith.constant 0 : i32
    %dma_wait3A_501 = tpu.memref_slice %arg9[%dma_wait3A_487, %dma_wait3A_499, %dma_wait3A_500] : memref<3x128x128xf32, #tpu.memory_space<vmem>> -> memref<1x128x128xf32, #tpu.memory_space<vmem>>
    %dma_wait3A_502 = tpu.memref_squeeze %dma_wait3A_501 : memref<1x128x128xf32, #tpu.memory_space<vmem>> -> memref<128x128xf32, #tpu.memory_space<vmem>>
    tpu.wait_dma2 semaphore(%dma_wait3A_496 : memref<!tpu.dma_semaphore, #tpu.memory_space<semaphore_mem>>) src(%dma_wait3A_502 : memref<128x128xf32, #tpu.memory_space<vmem>>) dst(%dma_wait3A_498 : memref<128x128xf32, #tpu.memory_space<hbm>>)
    return
  }
}

module attributes {stable_mosaic.version = 14 : i64} {
  func.func @_comb_kernel(%arg0: i32, %arg1: memref<16xi32, #tpu.memory_space<smem>>, %arg2: memref<16x1x2048xi32, #tpu.memory_space<vmem>>, %arg3: memref<16x2048xf32, #tpu.memory_space<vmem>>, %arg4: memref<16x2048xf32, #tpu.memory_space<vmem>>, %arg5: memref<32768x128xf32, #tpu.memory_space<hbm>>, %arg6: memref<16x2048xf32, #tpu.memory_space<vmem>>, %arg7: memref<8x256x128xf32, #tpu.memory_space<vmem>>, %arg8: memref<8x!tpu.dma_semaphore, #tpu.memory_space<semaphore_mem>>) attributes {dimension_semantics = [#tpu.dimension_semantics<arbitrary>], iteration_bounds = array<i64: 16>, scalar_prefetch = 1 : i64, scratch_operands = 2 : i64, tpu.core_type = #tpu.core_type<tc>, window_params = [{pipeline_mode = #tpu.pipeline_mode<synchronous>, transform_indices = @transform_0, window_bounds = array<i64: 16, 1, 2048>}, {pipeline_mode = #tpu.pipeline_mode<synchronous>, transform_indices = @transform_1, window_bounds = array<i64: 16, 2048>}, {pipeline_mode = #tpu.pipeline_mode<synchronous>, transform_indices = @transform_2, window_bounds = array<i64: 16, 2048>}, {}, {pipeline_mode = #tpu.pipeline_mode<synchronous>, transform_indices = @transform_4, window_bounds = array<i64: 16, 2048>}]} {
    %get3A = arith.index_cast %arg0 : i32 to index
    %get3A_0 = memref.load %arg1[%get3A] : memref<16xi32, #tpu.memory_space<smem>>
    %add3A = arith.constant 256 : i32
    %add3A_1 = arith.addi %get3A_0, %add3A : i32
    %sub3A = arith.constant 1 : i32
    %sub3A_2 = arith.subi %add3A_1, %sub3A : i32
    %jit3A = arith.constant 256 : i32
    %div3A = arith.divsi %sub3A_2, %jit3A : i32
    %sign3A = arith.constant 0 : i32
    %sign3A_3 = arith.cmpi sgt, %sub3A_2, %sign3A : i32
    %sign3A_4 = arith.extui %sign3A_3 : i1 to i32
    %sign3A_5 = arith.constant 0 : i32
    %sign3A_6 = arith.cmpi slt, %sub3A_2, %sign3A_5 : i32
    %sign3A_7 = arith.extui %sign3A_6 : i1 to i32
    %sign3A_8 = arith.subi %sign3A_4, %sign3A_7 : i32
    %sign3A_9 = arith.constant 0 : i32
    %sign3A_10 = arith.cmpi sgt, %jit3A, %sign3A_9 : i32
    %sign3A_11 = arith.extui %sign3A_10 : i1 to i32
    %sign3A_12 = arith.constant 0 : i32
    %sign3A_13 = arith.cmpi slt, %jit3A, %sign3A_12 : i32
    %sign3A_14 = arith.extui %sign3A_13 : i1 to i32
    %sign3A_15 = arith.subi %sign3A_11, %sign3A_14 : i32
    %ne3A = arith.cmpi ne, %sign3A_8, %sign3A_15 : i32
    %rem3A = arith.remsi %sub3A_2, %jit3A : i32
    %ne3A_16 = arith.constant 0 : i32
    %ne3A_17 = arith.cmpi ne, %rem3A, %ne3A_16 : i32
    %and3A = arith.andi %ne3A, %ne3A_17 : i1
    %sub3A_18 = arith.constant 1 : i32
    %sub3A_19 = arith.subi %div3A, %sub3A_18 : i32
    %select_n3A = arith.select %and3A, %sub3A_19, %div3A : i32
    %gt3A = arith.constant 0 : i32
    %gt3A_20 = arith.cmpi sgt, %select_n3A, %gt3A : i32
    %convert_element_type3A = arith.extui %gt3A_20 : i1 to i32
    %cond3A = arith.constant 0 : i32
    %cond3A_21 = arith.cmpi ne, %convert_element_type3A, %cond3A : i32
    scf.if %cond3A_21 {
      %mul3A = arith.constant 2048 : i32
      %mul3A_75 = arith.muli %arg0, %mul3A : i32
      %add3A_76 = arith.constant 0 : i32
      %add3A_77 = arith.addi %mul3A_75, %add3A_76 : i32
      %dma_start3A = arith.constant 0 : i32
      %dma_start3A_78 = arith.constant 0 : i32
      %dma_start3A_79 = tpu.memref_slice %arg8[%dma_start3A_78] : memref<8x!tpu.dma_semaphore, #tpu.memory_space<semaphore_mem>> -> memref<1x!tpu.dma_semaphore, #tpu.memory_space<semaphore_mem>>
      %dma_start3A_80 = tpu.memref_squeeze %dma_start3A_79 : memref<1x!tpu.dma_semaphore, #tpu.memory_space<semaphore_mem>> -> memref<!tpu.dma_semaphore, #tpu.memory_space<semaphore_mem>>
      %dma_start3A_81 = arith.constant 0 : i32
      %dma_start3A_82 = arith.constant 0 : i32
      %dma_start3A_83 = tpu.memref_slice %arg7[%dma_start3A, %dma_start3A_81, %dma_start3A_82] : memref<8x256x128xf32, #tpu.memory_space<vmem>> -> memref<1x256x128xf32, #tpu.memory_space<vmem>>
      %dma_start3A_84 = tpu.memref_squeeze %dma_start3A_83 : memref<1x256x128xf32, #tpu.memory_space<vmem>> -> memref<256x128xf32, #tpu.memory_space<vmem>>
      %dma_start3A_85 = arith.constant 0 : i32
      %dma_start3A_86 = tpu.memref_slice %arg5[%add3A_77, %dma_start3A_85] : memref<32768x128xf32, #tpu.memory_space<hbm>> -> memref<256x128xf32, #tpu.memory_space<hbm>>
      tpu.enqueue_dma source(%dma_start3A_86 : memref<256x128xf32, #tpu.memory_space<hbm>>) target(%dma_start3A_84 : memref<256x128xf32, #tpu.memory_space<vmem>>) target_semaphore(%dma_start3A_80 : memref<!tpu.dma_semaphore, #tpu.memory_space<semaphore_mem>>)
    } else {
    }
    %gt3A_22 = arith.constant 1 : i32
    %gt3A_23 = arith.cmpi sgt, %select_n3A, %gt3A_22 : i32
    %convert_element_type3A_24 = arith.extui %gt3A_23 : i1 to i32
    %cond3A_25 = arith.constant 0 : i32
    %cond3A_26 = arith.cmpi ne, %convert_element_type3A_24, %cond3A_25 : i32
    scf.if %cond3A_26 {
      %mul3A = arith.constant 2048 : i32
      %mul3A_75 = arith.muli %arg0, %mul3A : i32
      %add3A_76 = arith.constant 256 : i32
      %add3A_77 = arith.addi %mul3A_75, %add3A_76 : i32
      %dma_start3A = arith.constant 1 : i32
      %dma_start3A_78 = arith.constant 1 : i32
      %dma_start3A_79 = tpu.memref_slice %arg8[%dma_start3A_78] : memref<8x!tpu.dma_semaphore, #tpu.memory_space<semaphore_mem>> -> memref<1x!tpu.dma_semaphore, #tpu.memory_space<semaphore_mem>>
      %dma_start3A_80 = tpu.memref_squeeze %dma_start3A_79 : memref<1x!tpu.dma_semaphore, #tpu.memory_space<semaphore_mem>> -> memref<!tpu.dma_semaphore, #tpu.memory_space<semaphore_mem>>
      %dma_start3A_81 = arith.constant 0 : i32
      %dma_start3A_82 = arith.constant 0 : i32
      %dma_start3A_83 = tpu.memref_slice %arg7[%dma_start3A, %dma_start3A_81, %dma_start3A_82] : memref<8x256x128xf32, #tpu.memory_space<vmem>> -> memref<1x256x128xf32, #tpu.memory_space<vmem>>
      %dma_start3A_84 = tpu.memref_squeeze %dma_start3A_83 : memref<1x256x128xf32, #tpu.memory_space<vmem>> -> memref<256x128xf32, #tpu.memory_space<vmem>>
      %dma_start3A_85 = arith.constant 0 : i32
      %dma_start3A_86 = tpu.memref_slice %arg5[%add3A_77, %dma_start3A_85] : memref<32768x128xf32, #tpu.memory_space<hbm>> -> memref<256x128xf32, #tpu.memory_space<hbm>>
      tpu.enqueue_dma source(%dma_start3A_86 : memref<256x128xf32, #tpu.memory_space<hbm>>) target(%dma_start3A_84 : memref<256x128xf32, #tpu.memory_space<vmem>>) target_semaphore(%dma_start3A_80 : memref<!tpu.dma_semaphore, #tpu.memory_space<semaphore_mem>>)
    } else {
    }
    %gt3A_27 = arith.constant 2 : i32
    %gt3A_28 = arith.cmpi sgt, %select_n3A, %gt3A_27 : i32
    %convert_element_type3A_29 = arith.extui %gt3A_28 : i1 to i32
    %cond3A_30 = arith.constant 0 : i32
    %cond3A_31 = arith.cmpi ne, %convert_element_type3A_29, %cond3A_30 : i32
    scf.if %cond3A_31 {
      %mul3A = arith.constant 2048 : i32
      %mul3A_75 = arith.muli %arg0, %mul3A : i32
      %add3A_76 = arith.constant 512 : i32
      %add3A_77 = arith.addi %mul3A_75, %add3A_76 : i32
      %dma_start3A = arith.constant 2 : i32
      %dma_start3A_78 = arith.constant 2 : i32
      %dma_start3A_79 = tpu.memref_slice %arg8[%dma_start3A_78] : memref<8x!tpu.dma_semaphore, #tpu.memory_space<semaphore_mem>> -> memref<1x!tpu.dma_semaphore, #tpu.memory_space<semaphore_mem>>
      %dma_start3A_80 = tpu.memref_squeeze %dma_start3A_79 : memref<1x!tpu.dma_semaphore, #tpu.memory_space<semaphore_mem>> -> memref<!tpu.dma_semaphore, #tpu.memory_space<semaphore_mem>>
      %dma_start3A_81 = arith.constant 0 : i32
      %dma_start3A_82 = arith.constant 0 : i32
      %dma_start3A_83 = tpu.memref_slice %arg7[%dma_start3A, %dma_start3A_81, %dma_start3A_82] : memref<8x256x128xf32, #tpu.memory_space<vmem>> -> memref<1x256x128xf32, #tpu.memory_space<vmem>>
      %dma_start3A_84 = tpu.memref_squeeze %dma_start3A_83 : memref<1x256x128xf32, #tpu.memory_space<vmem>> -> memref<256x128xf32, #tpu.memory_space<vmem>>
      %dma_start3A_85 = arith.constant 0 : i32
      %dma_start3A_86 = tpu.memref_slice %arg5[%add3A_77, %dma_start3A_85] : memref<32768x128xf32, #tpu.memory_space<hbm>> -> memref<256x128xf32, #tpu.memory_space<hbm>>
      tpu.enqueue_dma source(%dma_start3A_86 : memref<256x128xf32, #tpu.memory_space<hbm>>) target(%dma_start3A_84 : memref<256x128xf32, #tpu.memory_space<vmem>>) target_semaphore(%dma_start3A_80 : memref<!tpu.dma_semaphore, #tpu.memory_space<semaphore_mem>>)
    } else {
    }
    %gt3A_32 = arith.constant 3 : i32
    %gt3A_33 = arith.cmpi sgt, %select_n3A, %gt3A_32 : i32
    %convert_element_type3A_34 = arith.extui %gt3A_33 : i1 to i32
    %cond3A_35 = arith.constant 0 : i32
    %cond3A_36 = arith.cmpi ne, %convert_element_type3A_34, %cond3A_35 : i32
    scf.if %cond3A_36 {
      %mul3A = arith.constant 2048 : i32
      %mul3A_75 = arith.muli %arg0, %mul3A : i32
      %add3A_76 = arith.constant 768 : i32
      %add3A_77 = arith.addi %mul3A_75, %add3A_76 : i32
      %dma_start3A = arith.constant 3 : i32
      %dma_start3A_78 = arith.constant 3 : i32
      %dma_start3A_79 = tpu.memref_slice %arg8[%dma_start3A_78] : memref<8x!tpu.dma_semaphore, #tpu.memory_space<semaphore_mem>> -> memref<1x!tpu.dma_semaphore, #tpu.memory_space<semaphore_mem>>
      %dma_start3A_80 = tpu.memref_squeeze %dma_start3A_79 : memref<1x!tpu.dma_semaphore, #tpu.memory_space<semaphore_mem>> -> memref<!tpu.dma_semaphore, #tpu.memory_space<semaphore_mem>>
      %dma_start3A_81 = arith.constant 0 : i32
      %dma_start3A_82 = arith.constant 0 : i32
      %dma_start3A_83 = tpu.memref_slice %arg7[%dma_start3A, %dma_start3A_81, %dma_start3A_82] : memref<8x256x128xf32, #tpu.memory_space<vmem>> -> memref<1x256x128xf32, #tpu.memory_space<vmem>>
      %dma_start3A_84 = tpu.memref_squeeze %dma_start3A_83 : memref<1x256x128xf32, #tpu.memory_space<vmem>> -> memref<256x128xf32, #tpu.memory_space<vmem>>
      %dma_start3A_85 = arith.constant 0 : i32
      %dma_start3A_86 = tpu.memref_slice %arg5[%add3A_77, %dma_start3A_85] : memref<32768x128xf32, #tpu.memory_space<hbm>> -> memref<256x128xf32, #tpu.memory_space<hbm>>
      tpu.enqueue_dma source(%dma_start3A_86 : memref<256x128xf32, #tpu.memory_space<hbm>>) target(%dma_start3A_84 : memref<256x128xf32, #tpu.memory_space<vmem>>) target_semaphore(%dma_start3A_80 : memref<!tpu.dma_semaphore, #tpu.memory_space<semaphore_mem>>)
    } else {
    }
    %gt3A_37 = arith.constant 4 : i32
    %gt3A_38 = arith.cmpi sgt, %select_n3A, %gt3A_37 : i32
    %convert_element_type3A_39 = arith.extui %gt3A_38 : i1 to i32
    %cond3A_40 = arith.constant 0 : i32
    %cond3A_41 = arith.cmpi ne, %convert_element_type3A_39, %cond3A_40 : i32
    scf.if %cond3A_41 {
      %mul3A = arith.constant 2048 : i32
      %mul3A_75 = arith.muli %arg0, %mul3A : i32
      %add3A_76 = arith.constant 1024 : i32
      %add3A_77 = arith.addi %mul3A_75, %add3A_76 : i32
      %dma_start3A = arith.constant 4 : i32
      %dma_start3A_78 = arith.constant 4 : i32
      %dma_start3A_79 = tpu.memref_slice %arg8[%dma_start3A_78] : memref<8x!tpu.dma_semaphore, #tpu.memory_space<semaphore_mem>> -> memref<1x!tpu.dma_semaphore, #tpu.memory_space<semaphore_mem>>
      %dma_start3A_80 = tpu.memref_squeeze %dma_start3A_79 : memref<1x!tpu.dma_semaphore, #tpu.memory_space<semaphore_mem>> -> memref<!tpu.dma_semaphore, #tpu.memory_space<semaphore_mem>>
      %dma_start3A_81 = arith.constant 0 : i32
      %dma_start3A_82 = arith.constant 0 : i32
      %dma_start3A_83 = tpu.memref_slice %arg7[%dma_start3A, %dma_start3A_81, %dma_start3A_82] : memref<8x256x128xf32, #tpu.memory_space<vmem>> -> memref<1x256x128xf32, #tpu.memory_space<vmem>>
      %dma_start3A_84 = tpu.memref_squeeze %dma_start3A_83 : memref<1x256x128xf32, #tpu.memory_space<vmem>> -> memref<256x128xf32, #tpu.memory_space<vmem>>
      %dma_start3A_85 = arith.constant 0 : i32
      %dma_start3A_86 = tpu.memref_slice %arg5[%add3A_77, %dma_start3A_85] : memref<32768x128xf32, #tpu.memory_space<hbm>> -> memref<256x128xf32, #tpu.memory_space<hbm>>
      tpu.enqueue_dma source(%dma_start3A_86 : memref<256x128xf32, #tpu.memory_space<hbm>>) target(%dma_start3A_84 : memref<256x128xf32, #tpu.memory_space<vmem>>) target_semaphore(%dma_start3A_80 : memref<!tpu.dma_semaphore, #tpu.memory_space<semaphore_mem>>)
    } else {
    }
    %gt3A_42 = arith.constant 5 : i32
    %gt3A_43 = arith.cmpi sgt, %select_n3A, %gt3A_42 : i32
    %convert_element_type3A_44 = arith.extui %gt3A_43 : i1 to i32
    %cond3A_45 = arith.constant 0 : i32
    %cond3A_46 = arith.cmpi ne, %convert_element_type3A_44, %cond3A_45 : i32
    scf.if %cond3A_46 {
      %mul3A = arith.constant 2048 : i32
      %mul3A_75 = arith.muli %arg0, %mul3A : i32
      %add3A_76 = arith.constant 1280 : i32
      %add3A_77 = arith.addi %mul3A_75, %add3A_76 : i32
      %dma_start3A = arith.constant 5 : i32
      %dma_start3A_78 = arith.constant 5 : i32
      %dma_start3A_79 = tpu.memref_slice %arg8[%dma_start3A_78] : memref<8x!tpu.dma_semaphore, #tpu.memory_space<semaphore_mem>> -> memref<1x!tpu.dma_semaphore, #tpu.memory_space<semaphore_mem>>
      %dma_start3A_80 = tpu.memref_squeeze %dma_start3A_79 : memref<1x!tpu.dma_semaphore, #tpu.memory_space<semaphore_mem>> -> memref<!tpu.dma_semaphore, #tpu.memory_space<semaphore_mem>>
      %dma_start3A_81 = arith.constant 0 : i32
      %dma_start3A_82 = arith.constant 0 : i32
      %dma_start3A_83 = tpu.memref_slice %arg7[%dma_start3A, %dma_start3A_81, %dma_start3A_82] : memref<8x256x128xf32, #tpu.memory_space<vmem>> -> memref<1x256x128xf32, #tpu.memory_space<vmem>>
      %dma_start3A_84 = tpu.memref_squeeze %dma_start3A_83 : memref<1x256x128xf32, #tpu.memory_space<vmem>> -> memref<256x128xf32, #tpu.memory_space<vmem>>
      %dma_start3A_85 = arith.constant 0 : i32
      %dma_start3A_86 = tpu.memref_slice %arg5[%add3A_77, %dma_start3A_85] : memref<32768x128xf32, #tpu.memory_space<hbm>> -> memref<256x128xf32, #tpu.memory_space<hbm>>
      tpu.enqueue_dma source(%dma_start3A_86 : memref<256x128xf32, #tpu.memory_space<hbm>>) target(%dma_start3A_84 : memref<256x128xf32, #tpu.memory_space<vmem>>) target_semaphore(%dma_start3A_80 : memref<!tpu.dma_semaphore, #tpu.memory_space<semaphore_mem>>)
    } else {
    }
    %gt3A_47 = arith.constant 6 : i32
    %gt3A_48 = arith.cmpi sgt, %select_n3A, %gt3A_47 : i32
    %convert_element_type3A_49 = arith.extui %gt3A_48 : i1 to i32
    %cond3A_50 = arith.constant 0 : i32
    %cond3A_51 = arith.cmpi ne, %convert_element_type3A_49, %cond3A_50 : i32
    scf.if %cond3A_51 {
      %mul3A = arith.constant 2048 : i32
      %mul3A_75 = arith.muli %arg0, %mul3A : i32
      %add3A_76 = arith.constant 1536 : i32
      %add3A_77 = arith.addi %mul3A_75, %add3A_76 : i32
      %dma_start3A = arith.constant 6 : i32
      %dma_start3A_78 = arith.constant 6 : i32
      %dma_start3A_79 = tpu.memref_slice %arg8[%dma_start3A_78] : memref<8x!tpu.dma_semaphore, #tpu.memory_space<semaphore_mem>> -> memref<1x!tpu.dma_semaphore, #tpu.memory_space<semaphore_mem>>
      %dma_start3A_80 = tpu.memref_squeeze %dma_start3A_79 : memref<1x!tpu.dma_semaphore, #tpu.memory_space<semaphore_mem>> -> memref<!tpu.dma_semaphore, #tpu.memory_space<semaphore_mem>>
      %dma_start3A_81 = arith.constant 0 : i32
      %dma_start3A_82 = arith.constant 0 : i32
      %dma_start3A_83 = tpu.memref_slice %arg7[%dma_start3A, %dma_start3A_81, %dma_start3A_82] : memref<8x256x128xf32, #tpu.memory_space<vmem>> -> memref<1x256x128xf32, #tpu.memory_space<vmem>>
      %dma_start3A_84 = tpu.memref_squeeze %dma_start3A_83 : memref<1x256x128xf32, #tpu.memory_space<vmem>> -> memref<256x128xf32, #tpu.memory_space<vmem>>
      %dma_start3A_85 = arith.constant 0 : i32
      %dma_start3A_86 = tpu.memref_slice %arg5[%add3A_77, %dma_start3A_85] : memref<32768x128xf32, #tpu.memory_space<hbm>> -> memref<256x128xf32, #tpu.memory_space<hbm>>
      tpu.enqueue_dma source(%dma_start3A_86 : memref<256x128xf32, #tpu.memory_space<hbm>>) target(%dma_start3A_84 : memref<256x128xf32, #tpu.memory_space<vmem>>) target_semaphore(%dma_start3A_80 : memref<!tpu.dma_semaphore, #tpu.memory_space<semaphore_mem>>)
    } else {
    }
    %iota3A = tpu.iota {dimensions = array<i32: 1>} : vector<256x128xi32>
    %while3A = arith.constant 0 : i32
    %while3A_52 = arith.constant 0 : i32
    %while3A_53 = arith.subi %select_n3A, %while3A : i32
    %while3A_54 = arith.addi %while3A, %while3A_53 : i32
    %while3A_55 = arith.constant 1 : i32
    %while3A_56 = arith.divsi %while3A_53, %while3A_55 : i32
    %while3A_57 = arith.muli %while3A_56, %while3A_55 : i32
    %while3A_58 = arith.addi %while3A, %while3A_57 : i32
    %while3A_59 = arith.constant 1 : i32
    %while3A_60 = scf.for %while3A_75 = %while3A to %while3A_58 step %while3A_59 iter_args(%while3A_76 = %while3A_52) -> (i32)  : i32 {
      %rem3A_77 = arith.constant 8 : i32
      %rem3A_78 = arith.remsi %while3A_75, %rem3A_77 : i32
      %add3A_79 = arith.constant 8 : i32
      %add3A_80 = arith.addi %while3A_75, %add3A_79 : i32
      %sub3A_81 = arith.constant 1 : i32
      %sub3A_82 = arith.subi %add3A_80, %sub3A_81 : i32
      %rem3A_83 = arith.constant 8 : i32
      %rem3A_84 = arith.remsi %sub3A_82, %rem3A_83 : i32
      %add3A_85 = arith.constant 8 : i32
      %add3A_86 = arith.addi %while3A_75, %add3A_85 : i32
      %sub3A_87 = arith.constant 1 : i32
      %sub3A_88 = arith.subi %add3A_86, %sub3A_87 : i32
      %lt3A = arith.cmpi slt, %sub3A_88, %select_n3A : i32
      %convert_element_type3A_89 = arith.extui %lt3A : i1 to i32
      %cond3A_90 = arith.constant 0 : i32
      %cond3A_91 = arith.cmpi ne, %convert_element_type3A_89, %cond3A_90 : i32
      scf.if %cond3A_91 {
        %add3A_147 = arith.constant 8 : i32
        %add3A_148 = arith.addi %while3A_75, %add3A_147 : i32
        %sub3A_149 = arith.constant 1 : i32
        %sub3A_150 = arith.subi %add3A_148, %sub3A_149 : i32
        %mul3A_151 = arith.constant 2048 : i32
        %mul3A_152 = arith.muli %arg0, %mul3A_151 : i32
        %mul3A_153 = arith.constant 256 : i32
        %mul3A_154 = arith.muli %sub3A_150, %mul3A_153 : i32
        %add3A_155 = arith.addi %mul3A_152, %mul3A_154 : i32
        %dma_start3A = tpu.memref_slice %arg8[%rem3A_84] : memref<8x!tpu.dma_semaphore, #tpu.memory_space<semaphore_mem>> -> memref<1x!tpu.dma_semaphore, #tpu.memory_space<semaphore_mem>>
        %dma_start3A_156 = tpu.memref_squeeze %dma_start3A : memref<1x!tpu.dma_semaphore, #tpu.memory_space<semaphore_mem>> -> memref<!tpu.dma_semaphore, #tpu.memory_space<semaphore_mem>>
        %dma_start3A_157 = arith.constant 0 : i32
        %dma_start3A_158 = arith.constant 0 : i32
        %dma_start3A_159 = tpu.memref_slice %arg7[%rem3A_84, %dma_start3A_157, %dma_start3A_158] : memref<8x256x128xf32, #tpu.memory_space<vmem>> -> memref<1x256x128xf32, #tpu.memory_space<vmem>>
        %dma_start3A_160 = tpu.memref_squeeze %dma_start3A_159 : memref<1x256x128xf32, #tpu.memory_space<vmem>> -> memref<256x128xf32, #tpu.memory_space<vmem>>
        %dma_start3A_161 = arith.constant 0 : i32
        %dma_start3A_162 = tpu.memref_slice %arg5[%add3A_155, %dma_start3A_161] : memref<32768x128xf32, #tpu.memory_space<hbm>> -> memref<256x128xf32, #tpu.memory_space<hbm>>
        tpu.enqueue_dma source(%dma_start3A_162 : memref<256x128xf32, #tpu.memory_space<hbm>>) target(%dma_start3A_160 : memref<256x128xf32, #tpu.memory_space<vmem>>) target_semaphore(%dma_start3A_156 : memref<!tpu.dma_semaphore, #tpu.memory_space<semaphore_mem>>)
      } else {
      }
      %mul3A = arith.constant 2048 : i32
      %mul3A_92 = arith.muli %arg0, %mul3A : i32
      %mul3A_93 = arith.constant 256 : i32
      %mul3A_94 = arith.muli %while3A_75, %mul3A_93 : i32
      %add3A_95 = arith.addi %mul3A_92, %mul3A_94 : i32
      %dma_wait3A = tpu.memref_slice %arg8[%rem3A_78] : memref<8x!tpu.dma_semaphore, #tpu.memory_space<semaphore_mem>> -> memref<1x!tpu.dma_semaphore, #tpu.memory_space<semaphore_mem>>
      %dma_wait3A_96 = tpu.memref_squeeze %dma_wait3A : memref<1x!tpu.dma_semaphore, #tpu.memory_space<semaphore_mem>> -> memref<!tpu.dma_semaphore, #tpu.memory_space<semaphore_mem>>
      %dma_wait3A_97 = arith.constant 0 : i32
      %dma_wait3A_98 = arith.constant 0 : i32
      %dma_wait3A_99 = tpu.memref_slice %arg7[%rem3A_78, %dma_wait3A_97, %dma_wait3A_98] : memref<8x256x128xf32, #tpu.memory_space<vmem>> -> memref<1x256x128xf32, #tpu.memory_space<vmem>>
      %dma_wait3A_100 = tpu.memref_squeeze %dma_wait3A_99 : memref<1x256x128xf32, #tpu.memory_space<vmem>> -> memref<256x128xf32, #tpu.memory_space<vmem>>
      %dma_wait3A_101 = arith.constant 0 : i32
      %dma_wait3A_102 = tpu.memref_slice %arg5[%add3A_95, %dma_wait3A_101] : memref<32768x128xf32, #tpu.memory_space<hbm>> -> memref<256x128xf32, #tpu.memory_space<hbm>>
      tpu.wait_dma2 semaphore(%dma_wait3A_96 : memref<!tpu.dma_semaphore, #tpu.memory_space<semaphore_mem>>) src(%dma_wait3A_102 : memref<256x128xf32, #tpu.memory_space<hbm>>) dst(%dma_wait3A_100 : memref<256x128xf32, #tpu.memory_space<vmem>>)
      %get3A_103 = arith.index_cast %rem3A_78 : i32 to index
      %get3A_104 = arith.constant 0 : index
      %get3A_105 = arith.constant 0 : index
      %get3A_106 = vector.load %arg7[%get3A_103, %get3A_104, %get3A_105] : memref<8x256x128xf32, #tpu.memory_space<vmem>>, vector<1x256x128xf32>
      %get3A_107 = vector.shape_cast %get3A_106 : vector<1x256x128xf32> to vector<256x128xf32>
      %mul3A_108 = arith.constant 256 : i32
      %mul3A_109 = arith.muli %while3A_75, %mul3A_108 : i32
      %get3A_110 = arith.index_cast %arg0 : i32 to index
      %get3A_111 = arith.constant 0 : index
      %get3A_112 = arith.index_cast %mul3A_109 : i32 to index
      %get3A_113 = vector.load %arg2[%get3A_110, %get3A_111, %get3A_112] : memref<16x1x2048xi32, #tpu.memory_space<vmem>>, vector<1x1x256xi32>
      %get3A_114 = vector.shape_cast %get3A_113 : vector<1x1x256xi32> to vector<256xi32>
      %reshape3A = vector.shape_cast %get3A_114 : vector<256xi32> to vector<256x1xi32>
      %and3A_115 = arith.constant 127 : i32
      %and3A_116 = vector.broadcast %and3A_115 : i32 to vector<256x1xi32>
      %and3A_117 = arith.andi %reshape3A, %and3A_116 : vector<256x1xi32>
      %eq3A = vector.broadcast %and3A_117 : vector<256x1xi32> to vector<256x128xi32>
      %eq3A_118 = arith.cmpi eq, %iota3A, %eq3A : vector<256x128xi32>
      %jit3A_119 = arith.constant 0.000000e+00 : f32
      %broadcast_in_dim3A = vector.broadcast %jit3A_119 : f32 to vector<256x128xf32>
      %select_n3A_120 = arith.select %eq3A_118, %get3A_107, %broadcast_in_dim3A : vector<256x128xi1>, vector<256x128xf32>
      %reduce_sum3A = arith.constant dense<0.000000e+00> : vector<256xf32>
      %reduce_sum3A_121 = vector.multi_reduction <add>, %select_n3A_120, %reduce_sum3A [1] : vector<256x128xf32> to vector<256xf32>
      %broadcast_in_dim3A_122 = vector.shape_cast %reduce_sum3A_121 : vector<256xf32> to vector<256x1xf32>
      %mul3A_123 = arith.constant 256 : i32
      %mul3A_124 = arith.muli %while3A_75, %mul3A_123 : i32
      %get3A_125 = arith.index_cast %arg0 : i32 to index
      %get3A_126 = arith.index_cast %mul3A_124 : i32 to index
      %get3A_127 = vector.load %arg3[%get3A_125, %get3A_126] : memref<16x2048xf32, #tpu.memory_space<vmem>>, vector<1x256xf32>
      %get3A_128 = vector.shape_cast %get3A_127 : vector<1x256xf32> to vector<256xf32>
      %reshape3A_129 = vector.shape_cast %get3A_128 : vector<256xf32> to vector<256x1xf32>
      %mul3A_130 = arith.constant 256 : i32
      %mul3A_131 = arith.muli %while3A_75, %mul3A_130 : i32
      %get3A_132 = arith.index_cast %arg0 : i32 to index
      %get3A_133 = arith.index_cast %mul3A_131 : i32 to index
      %get3A_134 = vector.load %arg4[%get3A_132, %get3A_133] : memref<16x2048xf32, #tpu.memory_space<vmem>>, vector<1x256xf32>
      %get3A_135 = vector.shape_cast %get3A_134 : vector<1x256xf32> to vector<256xf32>
      %reshape3A_136 = vector.shape_cast %get3A_135 : vector<256xf32> to vector<256x1xf32>
      %mul3A_137 = arith.mulf %broadcast_in_dim3A_122, %reshape3A_136 : vector<256x1xf32>
      %sub3A_138 = arith.subf %reshape3A_129, %mul3A_137 : vector<256x1xf32>
      %reshape3A_139 = vector.shape_cast %sub3A_138 : vector<256x1xf32> to vector<256xf32>
      %mul3A_140 = arith.constant 256 : i32
      %mul3A_141 = arith.muli %while3A_75, %mul3A_140 : i32
      %swap3A = arith.index_cast %arg0 : i32 to index
      %swap3A_142 = arith.index_cast %mul3A_141 : i32 to index
      %swap3A_143 = vector.load %arg6[%swap3A, %swap3A_142] : memref<16x2048xf32, #tpu.memory_space<vmem>>, vector<1x256xf32>
      %swap3A_144 = vector.shape_cast %swap3A_143 : vector<1x256xf32> to vector<256xf32>
      %swap3A_145 = vector.shape_cast %reshape3A_139 : vector<256xf32> to vector<1x256xf32>
      tpu.vector_store %arg6[%swap3A, %swap3A_142], %swap3A_145 {strides = array<i32>} : memref<16x2048xf32, #tpu.memory_space<vmem>>, vector<1x256xf32>,
      %while3A_146 = arith.constant 0 : i32
      scf.yield %while3A_146 : i32
    }
    %while3A_61 = arith.constant 1 : i32
    %while3A_62 = scf.for %while3A_75 = %while3A_58 to %while3A_54 step %while3A_61 iter_args(%while3A_76 = %while3A_60) -> (i32)  : i32 {
      %rem3A_77 = arith.constant 8 : i32
      %rem3A_78 = arith.remsi %while3A_75, %rem3A_77 : i32
      %add3A_79 = arith.constant 8 : i32
      %add3A_80 = arith.addi %while3A_75, %add3A_79 : i32
      %sub3A_81 = arith.constant 1 : i32
      %sub3A_82 = arith.subi %add3A_80, %sub3A_81 : i32
      %rem3A_83 = arith.constant 8 : i32
      %rem3A_84 = arith.remsi %sub3A_82, %rem3A_83 : i32
      %add3A_85 = arith.constant 8 : i32
      %add3A_86 = arith.addi %while3A_75, %add3A_85 : i32
      %sub3A_87 = arith.constant 1 : i32
      %sub3A_88 = arith.subi %add3A_86, %sub3A_87 : i32
      %lt3A = arith.cmpi slt, %sub3A_88, %select_n3A : i32
      %convert_element_type3A_89 = arith.extui %lt3A : i1 to i32
      %cond3A_90 = arith.constant 0 : i32
      %cond3A_91 = arith.cmpi ne, %convert_element_type3A_89, %cond3A_90 : i32
      scf.if %cond3A_91 {
        %add3A_147 = arith.constant 8 : i32
        %add3A_148 = arith.addi %while3A_75, %add3A_147 : i32
        %sub3A_149 = arith.constant 1 : i32
        %sub3A_150 = arith.subi %add3A_148, %sub3A_149 : i32
        %mul3A_151 = arith.constant 2048 : i32
        %mul3A_152 = arith.muli %arg0, %mul3A_151 : i32
        %mul3A_153 = arith.constant 256 : i32
        %mul3A_154 = arith.muli %sub3A_150, %mul3A_153 : i32
        %add3A_155 = arith.addi %mul3A_152, %mul3A_154 : i32
        %dma_start3A = tpu.memref_slice %arg8[%rem3A_84] : memref<8x!tpu.dma_semaphore, #tpu.memory_space<semaphore_mem>> -> memref<1x!tpu.dma_semaphore, #tpu.memory_space<semaphore_mem>>
        %dma_start3A_156 = tpu.memref_squeeze %dma_start3A : memref<1x!tpu.dma_semaphore, #tpu.memory_space<semaphore_mem>> -> memref<!tpu.dma_semaphore, #tpu.memory_space<semaphore_mem>>
        %dma_start3A_157 = arith.constant 0 : i32
        %dma_start3A_158 = arith.constant 0 : i32
        %dma_start3A_159 = tpu.memref_slice %arg7[%rem3A_84, %dma_start3A_157, %dma_start3A_158] : memref<8x256x128xf32, #tpu.memory_space<vmem>> -> memref<1x256x128xf32, #tpu.memory_space<vmem>>
        %dma_start3A_160 = tpu.memref_squeeze %dma_start3A_159 : memref<1x256x128xf32, #tpu.memory_space<vmem>> -> memref<256x128xf32, #tpu.memory_space<vmem>>
        %dma_start3A_161 = arith.constant 0 : i32
        %dma_start3A_162 = tpu.memref_slice %arg5[%add3A_155, %dma_start3A_161] : memref<32768x128xf32, #tpu.memory_space<hbm>> -> memref<256x128xf32, #tpu.memory_space<hbm>>
        tpu.enqueue_dma source(%dma_start3A_162 : memref<256x128xf32, #tpu.memory_space<hbm>>) target(%dma_start3A_160 : memref<256x128xf32, #tpu.memory_space<vmem>>) target_semaphore(%dma_start3A_156 : memref<!tpu.dma_semaphore, #tpu.memory_space<semaphore_mem>>)
      } else {
      }
      %mul3A = arith.constant 2048 : i32
      %mul3A_92 = arith.muli %arg0, %mul3A : i32
      %mul3A_93 = arith.constant 256 : i32
      %mul3A_94 = arith.muli %while3A_75, %mul3A_93 : i32
      %add3A_95 = arith.addi %mul3A_92, %mul3A_94 : i32
      %dma_wait3A = tpu.memref_slice %arg8[%rem3A_78] : memref<8x!tpu.dma_semaphore, #tpu.memory_space<semaphore_mem>> -> memref<1x!tpu.dma_semaphore, #tpu.memory_space<semaphore_mem>>
      %dma_wait3A_96 = tpu.memref_squeeze %dma_wait3A : memref<1x!tpu.dma_semaphore, #tpu.memory_space<semaphore_mem>> -> memref<!tpu.dma_semaphore, #tpu.memory_space<semaphore_mem>>
      %dma_wait3A_97 = arith.constant 0 : i32
      %dma_wait3A_98 = arith.constant 0 : i32
      %dma_wait3A_99 = tpu.memref_slice %arg7[%rem3A_78, %dma_wait3A_97, %dma_wait3A_98] : memref<8x256x128xf32, #tpu.memory_space<vmem>> -> memref<1x256x128xf32, #tpu.memory_space<vmem>>
      %dma_wait3A_100 = tpu.memref_squeeze %dma_wait3A_99 : memref<1x256x128xf32, #tpu.memory_space<vmem>> -> memref<256x128xf32, #tpu.memory_space<vmem>>
      %dma_wait3A_101 = arith.constant 0 : i32
      %dma_wait3A_102 = tpu.memref_slice %arg5[%add3A_95, %dma_wait3A_101] : memref<32768x128xf32, #tpu.memory_space<hbm>> -> memref<256x128xf32, #tpu.memory_space<hbm>>
      tpu.wait_dma2 semaphore(%dma_wait3A_96 : memref<!tpu.dma_semaphore, #tpu.memory_space<semaphore_mem>>) src(%dma_wait3A_102 : memref<256x128xf32, #tpu.memory_space<hbm>>) dst(%dma_wait3A_100 : memref<256x128xf32, #tpu.memory_space<vmem>>)
      %get3A_103 = arith.index_cast %rem3A_78 : i32 to index
      %get3A_104 = arith.constant 0 : index
      %get3A_105 = arith.constant 0 : index
      %get3A_106 = vector.load %arg7[%get3A_103, %get3A_104, %get3A_105] : memref<8x256x128xf32, #tpu.memory_space<vmem>>, vector<1x256x128xf32>
      %get3A_107 = vector.shape_cast %get3A_106 : vector<1x256x128xf32> to vector<256x128xf32>
      %mul3A_108 = arith.constant 256 : i32
      %mul3A_109 = arith.muli %while3A_75, %mul3A_108 : i32
      %get3A_110 = arith.index_cast %arg0 : i32 to index
      %get3A_111 = arith.constant 0 : index
      %get3A_112 = arith.index_cast %mul3A_109 : i32 to index
      %get3A_113 = vector.load %arg2[%get3A_110, %get3A_111, %get3A_112] : memref<16x1x2048xi32, #tpu.memory_space<vmem>>, vector<1x1x256xi32>
      %get3A_114 = vector.shape_cast %get3A_113 : vector<1x1x256xi32> to vector<256xi32>
      %reshape3A = vector.shape_cast %get3A_114 : vector<256xi32> to vector<256x1xi32>
      %and3A_115 = arith.constant 127 : i32
      %and3A_116 = vector.broadcast %and3A_115 : i32 to vector<256x1xi32>
      %and3A_117 = arith.andi %reshape3A, %and3A_116 : vector<256x1xi32>
      %eq3A = vector.broadcast %and3A_117 : vector<256x1xi32> to vector<256x128xi32>
      %eq3A_118 = arith.cmpi eq, %iota3A, %eq3A : vector<256x128xi32>
      %jit3A_119 = arith.constant 0.000000e+00 : f32
      %broadcast_in_dim3A = vector.broadcast %jit3A_119 : f32 to vector<256x128xf32>
      %select_n3A_120 = arith.select %eq3A_118, %get3A_107, %broadcast_in_dim3A : vector<256x128xi1>, vector<256x128xf32>
      %reduce_sum3A = arith.constant dense<0.000000e+00> : vector<256xf32>
      %reduce_sum3A_121 = vector.multi_reduction <add>, %select_n3A_120, %reduce_sum3A [1] : vector<256x128xf32> to vector<256xf32>
      %broadcast_in_dim3A_122 = vector.shape_cast %reduce_sum3A_121 : vector<256xf32> to vector<256x1xf32>
      %mul3A_123 = arith.constant 256 : i32
      %mul3A_124 = arith.muli %while3A_75, %mul3A_123 : i32
      %get3A_125 = arith.index_cast %arg0 : i32 to index
      %get3A_126 = arith.index_cast %mul3A_124 : i32 to index
      %get3A_127 = vector.load %arg3[%get3A_125, %get3A_126] : memref<16x2048xf32, #tpu.memory_space<vmem>>, vector<1x256xf32>
      %get3A_128 = vector.shape_cast %get3A_127 : vector<1x256xf32> to vector<256xf32>
      %reshape3A_129 = vector.shape_cast %get3A_128 : vector<256xf32> to vector<256x1xf32>
      %mul3A_130 = arith.constant 256 : i32
      %mul3A_131 = arith.muli %while3A_75, %mul3A_130 : i32
      %get3A_132 = arith.index_cast %arg0 : i32 to index
      %get3A_133 = arith.index_cast %mul3A_131 : i32 to index
      %get3A_134 = vector.load %arg4[%get3A_132, %get3A_133] : memref<16x2048xf32, #tpu.memory_space<vmem>>, vector<1x256xf32>
      %get3A_135 = vector.shape_cast %get3A_134 : vector<1x256xf32> to vector<256xf32>
      %reshape3A_136 = vector.shape_cast %get3A_135 : vector<256xf32> to vector<256x1xf32>
      %mul3A_137 = arith.mulf %broadcast_in_dim3A_122, %reshape3A_136 : vector<256x1xf32>
      %sub3A_138 = arith.subf %reshape3A_129, %mul3A_137 : vector<256x1xf32>
      %reshape3A_139 = vector.shape_cast %sub3A_138 : vector<256x1xf32> to vector<256xf32>
      %mul3A_140 = arith.constant 256 : i32
      %mul3A_141 = arith.muli %while3A_75, %mul3A_140 : i32
      %swap3A = arith.index_cast %arg0 : i32 to index
      %swap3A_142 = arith.index_cast %mul3A_141 : i32 to index
      %swap3A_143 = vector.load %arg6[%swap3A, %swap3A_142] : memref<16x2048xf32, #tpu.memory_space<vmem>>, vector<1x256xf32>
      %swap3A_144 = vector.shape_cast %swap3A_143 : vector<1x256xf32> to vector<256xf32>
      %swap3A_145 = vector.shape_cast %reshape3A_139 : vector<256xf32> to vector<1x256xf32>
      tpu.vector_store %arg6[%swap3A, %swap3A_142], %swap3A_145 {strides = array<i32>} : memref<16x2048xf32, #tpu.memory_space<vmem>>, vector<1x256xf32>,
      %while3A_146 = arith.constant 0 : i32
      scf.yield %while3A_146 : i32
    }
    %while3A_63 = arith.constant 8 : i32
    %while3A_64 = arith.constant 0 : i32
    %while3A_65 = arith.subi %while3A_63, %select_n3A : i32
    %while3A_66 = arith.addi %select_n3A, %while3A_65 : i32
    %while3A_67 = arith.constant 1 : i32
    %while3A_68 = arith.divsi %while3A_65, %while3A_67 : i32
    %while3A_69 = arith.muli %while3A_68, %while3A_67 : i32
    %while3A_70 = arith.addi %select_n3A, %while3A_69 : i32
    %while3A_71 = arith.constant 1 : i32
    %while3A_72 = scf.for %while3A_75 = %select_n3A to %while3A_70 step %while3A_71 iter_args(%while3A_76 = %while3A_64) -> (i32)  : i32 {
      %broadcast_in_dim3A = arith.constant 0.000000e+00 : f32
      %broadcast_in_dim3A_77 = vector.broadcast %broadcast_in_dim3A : f32 to vector<256xf32>
      %mul3A = arith.constant 256 : i32
      %mul3A_78 = arith.muli %while3A_75, %mul3A : i32
      %swap3A = arith.index_cast %arg0 : i32 to index
      %swap3A_79 = arith.index_cast %mul3A_78 : i32 to index
      %swap3A_80 = vector.load %arg6[%swap3A, %swap3A_79] : memref<16x2048xf32, #tpu.memory_space<vmem>>, vector<1x256xf32>
      %swap3A_81 = vector.shape_cast %swap3A_80 : vector<1x256xf32> to vector<256xf32>
      %swap3A_82 = vector.shape_cast %broadcast_in_dim3A_77 : vector<256xf32> to vector<1x256xf32>
      tpu.vector_store %arg6[%swap3A, %swap3A_79], %swap3A_82 {strides = array<i32>} : memref<16x2048xf32, #tpu.memory_space<vmem>>, vector<1x256xf32>,
      %while3A_83 = arith.constant 0 : i32
      scf.yield %while3A_83 : i32
    }
    %while3A_73 = arith.constant 1 : i32
    %while3A_74 = scf.for %while3A_75 = %while3A_70 to %while3A_66 step %while3A_73 iter_args(%while3A_76 = %while3A_72) -> (i32)  : i32 {
      %broadcast_in_dim3A = arith.constant 0.000000e+00 : f32
      %broadcast_in_dim3A_77 = vector.broadcast %broadcast_in_dim3A : f32 to vector<256xf32>
      %mul3A = arith.constant 256 : i32
      %mul3A_78 = arith.muli %while3A_75, %mul3A : i32
      %swap3A = arith.index_cast %arg0 : i32 to index
      %swap3A_79 = arith.index_cast %mul3A_78 : i32 to index
      %swap3A_80 = vector.load %arg6[%swap3A, %swap3A_79] : memref<16x2048xf32, #tpu.memory_space<vmem>>, vector<1x256xf32>
      %swap3A_81 = vector.shape_cast %swap3A_80 : vector<1x256xf32> to vector<256xf32>
      %swap3A_82 = vector.shape_cast %broadcast_in_dim3A_77 : vector<256xf32> to vector<1x256xf32>
      tpu.vector_store %arg6[%swap3A, %swap3A_79], %swap3A_82 {strides = array<i32>} : memref<16x2048xf32, #tpu.memory_space<vmem>>, vector<1x256xf32>,
      %while3A_83 = arith.constant 0 : i32
      scf.yield %while3A_83 : i32
    }
    return
  }
  func.func @transform_0(%arg0: i32, %arg1: memref<16xi32, #tpu.memory_space<smem>>) -> (i32, i32, i32) {
    %c0_i32 = arith.constant 0 : i32
    %c0_i32_0 = arith.constant 0 : i32
    %c0_i32_1 = arith.constant 0 : i32
    %c0_i32_2 = arith.constant 0 : i32
    return %c0_i32, %c0_i32_0, %c0_i32_1 : i32, i32, i32
  }
  func.func @transform_1(%arg0: i32, %arg1: memref<16xi32, #tpu.memory_space<smem>>) -> (i32, i32) {
    %c0_i32 = arith.constant 0 : i32
    %c0_i32_0 = arith.constant 0 : i32
    %c0_i32_1 = arith.constant 0 : i32
    return %c0_i32, %c0_i32_0 : i32, i32
  }
  func.func @transform_2(%arg0: i32, %arg1: memref<16xi32, #tpu.memory_space<smem>>) -> (i32, i32) {
    %c0_i32 = arith.constant 0 : i32
    %c0_i32_0 = arith.constant 0 : i32
    %c0_i32_1 = arith.constant 0 : i32
    return %c0_i32, %c0_i32_0 : i32, i32
  }
  func.func @transform_4(%arg0: i32, %arg1: memref<16xi32, #tpu.memory_space<smem>>) -> (i32, i32) {
    %c0_i32 = arith.constant 0 : i32
    %c0_i32_0 = arith.constant 0 : i32
    %c0_i32_1 = arith.constant 0 : i32
    return %c0_i32, %c0_i32_0 : i32, i32
  }
}

module attributes {stable_mosaic.version = 14 : i64} {
  func.func @_lse_kernel(%arg0: i32, %arg1: memref<16xi32, #tpu.memory_space<smem>>, %arg2: memref<16x2048x1024xf32, #tpu.memory_space<hbm>>, %arg3: memref<16x2048xf32, #tpu.memory_space<vmem>>, %arg4: memref<16x2048xf32, #tpu.memory_space<vmem>>, %arg5: memref<8x256x1024xf32, #tpu.memory_space<vmem>>, %arg6: memref<8x!tpu.dma_semaphore, #tpu.memory_space<semaphore_mem>>) attributes {dimension_semantics = [#tpu.dimension_semantics<arbitrary>], iteration_bounds = array<i64: 16>, scalar_prefetch = 1 : i64, scratch_operands = 2 : i64, tpu.core_type = #tpu.core_type<tc>, window_params = [{}, {pipeline_mode = #tpu.pipeline_mode<synchronous>, transform_indices = @transform_1, window_bounds = array<i64: 16, 2048>}, {pipeline_mode = #tpu.pipeline_mode<synchronous>, transform_indices = @transform_2, window_bounds = array<i64: 16, 2048>}]} {
    %get3A = arith.index_cast %arg0 : i32 to index
    %get3A_0 = memref.load %arg1[%get3A] : memref<16xi32, #tpu.memory_space<smem>>
    %add3A = arith.constant 256 : i32
    %add3A_1 = arith.addi %get3A_0, %add3A : i32
    %sub3A = arith.constant 1 : i32
    %sub3A_2 = arith.subi %add3A_1, %sub3A : i32
    %jit3A = arith.constant 256 : i32
    %div3A = arith.divsi %sub3A_2, %jit3A : i32
    %sign3A = arith.constant 0 : i32
    %sign3A_3 = arith.cmpi sgt, %sub3A_2, %sign3A : i32
    %sign3A_4 = arith.extui %sign3A_3 : i1 to i32
    %sign3A_5 = arith.constant 0 : i32
    %sign3A_6 = arith.cmpi slt, %sub3A_2, %sign3A_5 : i32
    %sign3A_7 = arith.extui %sign3A_6 : i1 to i32
    %sign3A_8 = arith.subi %sign3A_4, %sign3A_7 : i32
    %sign3A_9 = arith.constant 0 : i32
    %sign3A_10 = arith.cmpi sgt, %jit3A, %sign3A_9 : i32
    %sign3A_11 = arith.extui %sign3A_10 : i1 to i32
    %sign3A_12 = arith.constant 0 : i32
    %sign3A_13 = arith.cmpi slt, %jit3A, %sign3A_12 : i32
    %sign3A_14 = arith.extui %sign3A_13 : i1 to i32
    %sign3A_15 = arith.subi %sign3A_11, %sign3A_14 : i32
    %ne3A = arith.cmpi ne, %sign3A_8, %sign3A_15 : i32
    %rem3A = arith.remsi %sub3A_2, %jit3A : i32
    %ne3A_16 = arith.constant 0 : i32
    %ne3A_17 = arith.cmpi ne, %rem3A, %ne3A_16 : i32
    %and3A = arith.andi %ne3A, %ne3A_17 : i1
    %sub3A_18 = arith.constant 1 : i32
    %sub3A_19 = arith.subi %div3A, %sub3A_18 : i32
    %select_n3A = arith.select %and3A, %sub3A_19, %div3A : i32
    %gt3A = arith.constant 0 : i32
    %gt3A_20 = arith.cmpi sgt, %select_n3A, %gt3A : i32
    %convert_element_type3A = arith.extui %gt3A_20 : i1 to i32
    %cond3A = arith.constant 0 : i32
    %cond3A_21 = arith.cmpi ne, %convert_element_type3A, %cond3A : i32
    scf.if %cond3A_21 {
      %dma_start3A = arith.constant 0 : i32
      %dma_start3A_75 = arith.constant 0 : i32
      %dma_start3A_76 = tpu.memref_slice %arg6[%dma_start3A_75] : memref<8x!tpu.dma_semaphore, #tpu.memory_space<semaphore_mem>> -> memref<1x!tpu.dma_semaphore, #tpu.memory_space<semaphore_mem>>
      %dma_start3A_77 = tpu.memref_squeeze %dma_start3A_76 : memref<1x!tpu.dma_semaphore, #tpu.memory_space<semaphore_mem>> -> memref<!tpu.dma_semaphore, #tpu.memory_space<semaphore_mem>>
      %dma_start3A_78 = arith.constant 0 : i32
      %dma_start3A_79 = arith.constant 0 : i32
      %dma_start3A_80 = tpu.memref_slice %arg5[%dma_start3A, %dma_start3A_78, %dma_start3A_79] : memref<8x256x1024xf32, #tpu.memory_space<vmem>> -> memref<1x256x1024xf32, #tpu.memory_space<vmem>>
      %dma_start3A_81 = tpu.memref_squeeze %dma_start3A_80 : memref<1x256x1024xf32, #tpu.memory_space<vmem>> -> memref<256x1024xf32, #tpu.memory_space<vmem>>
      %dma_start3A_82 = arith.constant 0 : i32
      %dma_start3A_83 = arith.constant 0 : i32
      %dma_start3A_84 = tpu.memref_slice %arg2[%arg0, %dma_start3A_82, %dma_start3A_83] : memref<16x2048x1024xf32, #tpu.memory_space<hbm>> -> memref<1x256x1024xf32, #tpu.memory_space<hbm>>
      %dma_start3A_85 = tpu.memref_squeeze %dma_start3A_84 : memref<1x256x1024xf32, #tpu.memory_space<hbm>> -> memref<256x1024xf32, #tpu.memory_space<hbm>>
      tpu.enqueue_dma source(%dma_start3A_85 : memref<256x1024xf32, #tpu.memory_space<hbm>>) target(%dma_start3A_81 : memref<256x1024xf32, #tpu.memory_space<vmem>>) target_semaphore(%dma_start3A_77 : memref<!tpu.dma_semaphore, #tpu.memory_space<semaphore_mem>>)
    } else {
    }
    %gt3A_22 = arith.constant 1 : i32
    %gt3A_23 = arith.cmpi sgt, %select_n3A, %gt3A_22 : i32
    %convert_element_type3A_24 = arith.extui %gt3A_23 : i1 to i32
    %cond3A_25 = arith.constant 0 : i32
    %cond3A_26 = arith.cmpi ne, %convert_element_type3A_24, %cond3A_25 : i32
    scf.if %cond3A_26 {
      %dma_start3A = arith.constant 1 : i32
      %dma_start3A_75 = arith.constant 1 : i32
      %dma_start3A_76 = tpu.memref_slice %arg6[%dma_start3A_75] : memref<8x!tpu.dma_semaphore, #tpu.memory_space<semaphore_mem>> -> memref<1x!tpu.dma_semaphore, #tpu.memory_space<semaphore_mem>>
      %dma_start3A_77 = tpu.memref_squeeze %dma_start3A_76 : memref<1x!tpu.dma_semaphore, #tpu.memory_space<semaphore_mem>> -> memref<!tpu.dma_semaphore, #tpu.memory_space<semaphore_mem>>
      %dma_start3A_78 = arith.constant 0 : i32
      %dma_start3A_79 = arith.constant 0 : i32
      %dma_start3A_80 = tpu.memref_slice %arg5[%dma_start3A, %dma_start3A_78, %dma_start3A_79] : memref<8x256x1024xf32, #tpu.memory_space<vmem>> -> memref<1x256x1024xf32, #tpu.memory_space<vmem>>
      %dma_start3A_81 = tpu.memref_squeeze %dma_start3A_80 : memref<1x256x1024xf32, #tpu.memory_space<vmem>> -> memref<256x1024xf32, #tpu.memory_space<vmem>>
      %dma_start3A_82 = arith.constant 256 : i32
      %dma_start3A_83 = arith.constant 0 : i32
      %dma_start3A_84 = tpu.memref_slice %arg2[%arg0, %dma_start3A_82, %dma_start3A_83] : memref<16x2048x1024xf32, #tpu.memory_space<hbm>> -> memref<1x256x1024xf32, #tpu.memory_space<hbm>>
      %dma_start3A_85 = tpu.memref_squeeze %dma_start3A_84 : memref<1x256x1024xf32, #tpu.memory_space<hbm>> -> memref<256x1024xf32, #tpu.memory_space<hbm>>
      tpu.enqueue_dma source(%dma_start3A_85 : memref<256x1024xf32, #tpu.memory_space<hbm>>) target(%dma_start3A_81 : memref<256x1024xf32, #tpu.memory_space<vmem>>) target_semaphore(%dma_start3A_77 : memref<!tpu.dma_semaphore, #tpu.memory_space<semaphore_mem>>)
    } else {
    }
    %gt3A_27 = arith.constant 2 : i32
    %gt3A_28 = arith.cmpi sgt, %select_n3A, %gt3A_27 : i32
    %convert_element_type3A_29 = arith.extui %gt3A_28 : i1 to i32
    %cond3A_30 = arith.constant 0 : i32
    %cond3A_31 = arith.cmpi ne, %convert_element_type3A_29, %cond3A_30 : i32
    scf.if %cond3A_31 {
      %dma_start3A = arith.constant 2 : i32
      %dma_start3A_75 = arith.constant 2 : i32
      %dma_start3A_76 = tpu.memref_slice %arg6[%dma_start3A_75] : memref<8x!tpu.dma_semaphore, #tpu.memory_space<semaphore_mem>> -> memref<1x!tpu.dma_semaphore, #tpu.memory_space<semaphore_mem>>
      %dma_start3A_77 = tpu.memref_squeeze %dma_start3A_76 : memref<1x!tpu.dma_semaphore, #tpu.memory_space<semaphore_mem>> -> memref<!tpu.dma_semaphore, #tpu.memory_space<semaphore_mem>>
      %dma_start3A_78 = arith.constant 0 : i32
      %dma_start3A_79 = arith.constant 0 : i32
      %dma_start3A_80 = tpu.memref_slice %arg5[%dma_start3A, %dma_start3A_78, %dma_start3A_79] : memref<8x256x1024xf32, #tpu.memory_space<vmem>> -> memref<1x256x1024xf32, #tpu.memory_space<vmem>>
      %dma_start3A_81 = tpu.memref_squeeze %dma_start3A_80 : memref<1x256x1024xf32, #tpu.memory_space<vmem>> -> memref<256x1024xf32, #tpu.memory_space<vmem>>
      %dma_start3A_82 = arith.constant 512 : i32
      %dma_start3A_83 = arith.constant 0 : i32
      %dma_start3A_84 = tpu.memref_slice %arg2[%arg0, %dma_start3A_82, %dma_start3A_83] : memref<16x2048x1024xf32, #tpu.memory_space<hbm>> -> memref<1x256x1024xf32, #tpu.memory_space<hbm>>
      %dma_start3A_85 = tpu.memref_squeeze %dma_start3A_84 : memref<1x256x1024xf32, #tpu.memory_space<hbm>> -> memref<256x1024xf32, #tpu.memory_space<hbm>>
      tpu.enqueue_dma source(%dma_start3A_85 : memref<256x1024xf32, #tpu.memory_space<hbm>>) target(%dma_start3A_81 : memref<256x1024xf32, #tpu.memory_space<vmem>>) target_semaphore(%dma_start3A_77 : memref<!tpu.dma_semaphore, #tpu.memory_space<semaphore_mem>>)
    } else {
    }
    %gt3A_32 = arith.constant 3 : i32
    %gt3A_33 = arith.cmpi sgt, %select_n3A, %gt3A_32 : i32
    %convert_element_type3A_34 = arith.extui %gt3A_33 : i1 to i32
    %cond3A_35 = arith.constant 0 : i32
    %cond3A_36 = arith.cmpi ne, %convert_element_type3A_34, %cond3A_35 : i32
    scf.if %cond3A_36 {
      %dma_start3A = arith.constant 3 : i32
      %dma_start3A_75 = arith.constant 3 : i32
      %dma_start3A_76 = tpu.memref_slice %arg6[%dma_start3A_75] : memref<8x!tpu.dma_semaphore, #tpu.memory_space<semaphore_mem>> -> memref<1x!tpu.dma_semaphore, #tpu.memory_space<semaphore_mem>>
      %dma_start3A_77 = tpu.memref_squeeze %dma_start3A_76 : memref<1x!tpu.dma_semaphore, #tpu.memory_space<semaphore_mem>> -> memref<!tpu.dma_semaphore, #tpu.memory_space<semaphore_mem>>
      %dma_start3A_78 = arith.constant 0 : i32
      %dma_start3A_79 = arith.constant 0 : i32
      %dma_start3A_80 = tpu.memref_slice %arg5[%dma_start3A, %dma_start3A_78, %dma_start3A_79] : memref<8x256x1024xf32, #tpu.memory_space<vmem>> -> memref<1x256x1024xf32, #tpu.memory_space<vmem>>
      %dma_start3A_81 = tpu.memref_squeeze %dma_start3A_80 : memref<1x256x1024xf32, #tpu.memory_space<vmem>> -> memref<256x1024xf32, #tpu.memory_space<vmem>>
      %dma_start3A_82 = arith.constant 768 : i32
      %dma_start3A_83 = arith.constant 0 : i32
      %dma_start3A_84 = tpu.memref_slice %arg2[%arg0, %dma_start3A_82, %dma_start3A_83] : memref<16x2048x1024xf32, #tpu.memory_space<hbm>> -> memref<1x256x1024xf32, #tpu.memory_space<hbm>>
      %dma_start3A_85 = tpu.memref_squeeze %dma_start3A_84 : memref<1x256x1024xf32, #tpu.memory_space<hbm>> -> memref<256x1024xf32, #tpu.memory_space<hbm>>
      tpu.enqueue_dma source(%dma_start3A_85 : memref<256x1024xf32, #tpu.memory_space<hbm>>) target(%dma_start3A_81 : memref<256x1024xf32, #tpu.memory_space<vmem>>) target_semaphore(%dma_start3A_77 : memref<!tpu.dma_semaphore, #tpu.memory_space<semaphore_mem>>)
    } else {
    }
    %gt3A_37 = arith.constant 4 : i32
    %gt3A_38 = arith.cmpi sgt, %select_n3A, %gt3A_37 : i32
    %convert_element_type3A_39 = arith.extui %gt3A_38 : i1 to i32
    %cond3A_40 = arith.constant 0 : i32
    %cond3A_41 = arith.cmpi ne, %convert_element_type3A_39, %cond3A_40 : i32
    scf.if %cond3A_41 {
      %dma_start3A = arith.constant 4 : i32
      %dma_start3A_75 = arith.constant 4 : i32
      %dma_start3A_76 = tpu.memref_slice %arg6[%dma_start3A_75] : memref<8x!tpu.dma_semaphore, #tpu.memory_space<semaphore_mem>> -> memref<1x!tpu.dma_semaphore, #tpu.memory_space<semaphore_mem>>
      %dma_start3A_77 = tpu.memref_squeeze %dma_start3A_76 : memref<1x!tpu.dma_semaphore, #tpu.memory_space<semaphore_mem>> -> memref<!tpu.dma_semaphore, #tpu.memory_space<semaphore_mem>>
      %dma_start3A_78 = arith.constant 0 : i32
      %dma_start3A_79 = arith.constant 0 : i32
      %dma_start3A_80 = tpu.memref_slice %arg5[%dma_start3A, %dma_start3A_78, %dma_start3A_79] : memref<8x256x1024xf32, #tpu.memory_space<vmem>> -> memref<1x256x1024xf32, #tpu.memory_space<vmem>>
      %dma_start3A_81 = tpu.memref_squeeze %dma_start3A_80 : memref<1x256x1024xf32, #tpu.memory_space<vmem>> -> memref<256x1024xf32, #tpu.memory_space<vmem>>
      %dma_start3A_82 = arith.constant 1024 : i32
      %dma_start3A_83 = arith.constant 0 : i32
      %dma_start3A_84 = tpu.memref_slice %arg2[%arg0, %dma_start3A_82, %dma_start3A_83] : memref<16x2048x1024xf32, #tpu.memory_space<hbm>> -> memref<1x256x1024xf32, #tpu.memory_space<hbm>>
      %dma_start3A_85 = tpu.memref_squeeze %dma_start3A_84 : memref<1x256x1024xf32, #tpu.memory_space<hbm>> -> memref<256x1024xf32, #tpu.memory_space<hbm>>
      tpu.enqueue_dma source(%dma_start3A_85 : memref<256x1024xf32, #tpu.memory_space<hbm>>) target(%dma_start3A_81 : memref<256x1024xf32, #tpu.memory_space<vmem>>) target_semaphore(%dma_start3A_77 : memref<!tpu.dma_semaphore, #tpu.memory_space<semaphore_mem>>)
    } else {
    }
    %gt3A_42 = arith.constant 5 : i32
    %gt3A_43 = arith.cmpi sgt, %select_n3A, %gt3A_42 : i32
    %convert_element_type3A_44 = arith.extui %gt3A_43 : i1 to i32
    %cond3A_45 = arith.constant 0 : i32
    %cond3A_46 = arith.cmpi ne, %convert_element_type3A_44, %cond3A_45 : i32
    scf.if %cond3A_46 {
      %dma_start3A = arith.constant 5 : i32
      %dma_start3A_75 = arith.constant 5 : i32
      %dma_start3A_76 = tpu.memref_slice %arg6[%dma_start3A_75] : memref<8x!tpu.dma_semaphore, #tpu.memory_space<semaphore_mem>> -> memref<1x!tpu.dma_semaphore, #tpu.memory_space<semaphore_mem>>
      %dma_start3A_77 = tpu.memref_squeeze %dma_start3A_76 : memref<1x!tpu.dma_semaphore, #tpu.memory_space<semaphore_mem>> -> memref<!tpu.dma_semaphore, #tpu.memory_space<semaphore_mem>>
      %dma_start3A_78 = arith.constant 0 : i32
      %dma_start3A_79 = arith.constant 0 : i32
      %dma_start3A_80 = tpu.memref_slice %arg5[%dma_start3A, %dma_start3A_78, %dma_start3A_79] : memref<8x256x1024xf32, #tpu.memory_space<vmem>> -> memref<1x256x1024xf32, #tpu.memory_space<vmem>>
      %dma_start3A_81 = tpu.memref_squeeze %dma_start3A_80 : memref<1x256x1024xf32, #tpu.memory_space<vmem>> -> memref<256x1024xf32, #tpu.memory_space<vmem>>
      %dma_start3A_82 = arith.constant 1280 : i32
      %dma_start3A_83 = arith.constant 0 : i32
      %dma_start3A_84 = tpu.memref_slice %arg2[%arg0, %dma_start3A_82, %dma_start3A_83] : memref<16x2048x1024xf32, #tpu.memory_space<hbm>> -> memref<1x256x1024xf32, #tpu.memory_space<hbm>>
      %dma_start3A_85 = tpu.memref_squeeze %dma_start3A_84 : memref<1x256x1024xf32, #tpu.memory_space<hbm>> -> memref<256x1024xf32, #tpu.memory_space<hbm>>
      tpu.enqueue_dma source(%dma_start3A_85 : memref<256x1024xf32, #tpu.memory_space<hbm>>) target(%dma_start3A_81 : memref<256x1024xf32, #tpu.memory_space<vmem>>) target_semaphore(%dma_start3A_77 : memref<!tpu.dma_semaphore, #tpu.memory_space<semaphore_mem>>)
    } else {
    }
    %gt3A_47 = arith.constant 6 : i32
    %gt3A_48 = arith.cmpi sgt, %select_n3A, %gt3A_47 : i32
    %convert_element_type3A_49 = arith.extui %gt3A_48 : i1 to i32
    %cond3A_50 = arith.constant 0 : i32
    %cond3A_51 = arith.cmpi ne, %convert_element_type3A_49, %cond3A_50 : i32
    scf.if %cond3A_51 {
      %dma_start3A = arith.constant 6 : i32
      %dma_start3A_75 = arith.constant 6 : i32
      %dma_start3A_76 = tpu.memref_slice %arg6[%dma_start3A_75] : memref<8x!tpu.dma_semaphore, #tpu.memory_space<semaphore_mem>> -> memref<1x!tpu.dma_semaphore, #tpu.memory_space<semaphore_mem>>
      %dma_start3A_77 = tpu.memref_squeeze %dma_start3A_76 : memref<1x!tpu.dma_semaphore, #tpu.memory_space<semaphore_mem>> -> memref<!tpu.dma_semaphore, #tpu.memory_space<semaphore_mem>>
      %dma_start3A_78 = arith.constant 0 : i32
      %dma_start3A_79 = arith.constant 0 : i32
      %dma_start3A_80 = tpu.memref_slice %arg5[%dma_start3A, %dma_start3A_78, %dma_start3A_79] : memref<8x256x1024xf32, #tpu.memory_space<vmem>> -> memref<1x256x1024xf32, #tpu.memory_space<vmem>>
      %dma_start3A_81 = tpu.memref_squeeze %dma_start3A_80 : memref<1x256x1024xf32, #tpu.memory_space<vmem>> -> memref<256x1024xf32, #tpu.memory_space<vmem>>
      %dma_start3A_82 = arith.constant 1536 : i32
      %dma_start3A_83 = arith.constant 0 : i32
      %dma_start3A_84 = tpu.memref_slice %arg2[%arg0, %dma_start3A_82, %dma_start3A_83] : memref<16x2048x1024xf32, #tpu.memory_space<hbm>> -> memref<1x256x1024xf32, #tpu.memory_space<hbm>>
      %dma_start3A_85 = tpu.memref_squeeze %dma_start3A_84 : memref<1x256x1024xf32, #tpu.memory_space<hbm>> -> memref<256x1024xf32, #tpu.memory_space<hbm>>
      tpu.enqueue_dma source(%dma_start3A_85 : memref<256x1024xf32, #tpu.memory_space<hbm>>) target(%dma_start3A_81 : memref<256x1024xf32, #tpu.memory_space<vmem>>) target_semaphore(%dma_start3A_77 : memref<!tpu.dma_semaphore, #tpu.memory_space<semaphore_mem>>)
    } else {
    }
    %while3A = arith.constant 0 : i32
    %while3A_52 = arith.constant 0 : i32
    %while3A_53 = arith.subi %select_n3A, %while3A : i32
    %while3A_54 = arith.addi %while3A, %while3A_53 : i32
    %while3A_55 = arith.constant 1 : i32
    %while3A_56 = arith.divsi %while3A_53, %while3A_55 : i32
    %while3A_57 = arith.muli %while3A_56, %while3A_55 : i32
    %while3A_58 = arith.addi %while3A, %while3A_57 : i32
    %while3A_59 = arith.constant 1 : i32
    %while3A_60 = scf.for %while3A_75 = %while3A to %while3A_58 step %while3A_59 iter_args(%while3A_76 = %while3A_52) -> (i32)  : i32 {
      %rem3A_77 = arith.constant 8 : i32
      %rem3A_78 = arith.remsi %while3A_75, %rem3A_77 : i32
      %add3A_79 = arith.constant 8 : i32
      %add3A_80 = arith.addi %while3A_75, %add3A_79 : i32
      %sub3A_81 = arith.constant 1 : i32
      %sub3A_82 = arith.subi %add3A_80, %sub3A_81 : i32
      %rem3A_83 = arith.constant 8 : i32
      %rem3A_84 = arith.remsi %sub3A_82, %rem3A_83 : i32
      %add3A_85 = arith.constant 8 : i32
      %add3A_86 = arith.addi %while3A_75, %add3A_85 : i32
      %sub3A_87 = arith.constant 1 : i32
      %sub3A_88 = arith.subi %add3A_86, %sub3A_87 : i32
      %lt3A = arith.cmpi slt, %sub3A_88, %select_n3A : i32
      %convert_element_type3A_89 = arith.extui %lt3A : i1 to i32
      %cond3A_90 = arith.constant 0 : i32
      %cond3A_91 = arith.cmpi ne, %convert_element_type3A_89, %cond3A_90 : i32
      scf.if %cond3A_91 {
        %add3A_136 = arith.constant 8 : i32
        %add3A_137 = arith.addi %while3A_75, %add3A_136 : i32
        %sub3A_138 = arith.constant 1 : i32
        %sub3A_139 = arith.subi %add3A_137, %sub3A_138 : i32
        %mul3A_140 = arith.constant 256 : i32
        %mul3A_141 = arith.muli %sub3A_139, %mul3A_140 : i32
        %dma_start3A = tpu.memref_slice %arg6[%rem3A_84] : memref<8x!tpu.dma_semaphore, #tpu.memory_space<semaphore_mem>> -> memref<1x!tpu.dma_semaphore, #tpu.memory_space<semaphore_mem>>
        %dma_start3A_142 = tpu.memref_squeeze %dma_start3A : memref<1x!tpu.dma_semaphore, #tpu.memory_space<semaphore_mem>> -> memref<!tpu.dma_semaphore, #tpu.memory_space<semaphore_mem>>
        %dma_start3A_143 = arith.constant 0 : i32
        %dma_start3A_144 = arith.constant 0 : i32
        %dma_start3A_145 = tpu.memref_slice %arg5[%rem3A_84, %dma_start3A_143, %dma_start3A_144] : memref<8x256x1024xf32, #tpu.memory_space<vmem>> -> memref<1x256x1024xf32, #tpu.memory_space<vmem>>
        %dma_start3A_146 = tpu.memref_squeeze %dma_start3A_145 : memref<1x256x1024xf32, #tpu.memory_space<vmem>> -> memref<256x1024xf32, #tpu.memory_space<vmem>>
        %dma_start3A_147 = arith.constant 0 : i32
        %dma_start3A_148 = tpu.memref_slice %arg2[%arg0, %mul3A_141, %dma_start3A_147] : memref<16x2048x1024xf32, #tpu.memory_space<hbm>> -> memref<1x256x1024xf32, #tpu.memory_space<hbm>>
        %dma_start3A_149 = tpu.memref_squeeze %dma_start3A_148 : memref<1x256x1024xf32, #tpu.memory_space<hbm>> -> memref<256x1024xf32, #tpu.memory_space<hbm>>
        tpu.enqueue_dma source(%dma_start3A_149 : memref<256x1024xf32, #tpu.memory_space<hbm>>) target(%dma_start3A_146 : memref<256x1024xf32, #tpu.memory_space<vmem>>) target_semaphore(%dma_start3A_142 : memref<!tpu.dma_semaphore, #tpu.memory_space<semaphore_mem>>)
      } else {
      }
      %mul3A = arith.constant 256 : i32
      %mul3A_92 = arith.muli %while3A_75, %mul3A : i32
      %dma_wait3A = tpu.memref_slice %arg6[%rem3A_78] : memref<8x!tpu.dma_semaphore, #tpu.memory_space<semaphore_mem>> -> memref<1x!tpu.dma_semaphore, #tpu.memory_space<semaphore_mem>>
      %dma_wait3A_93 = tpu.memref_squeeze %dma_wait3A : memref<1x!tpu.dma_semaphore, #tpu.memory_space<semaphore_mem>> -> memref<!tpu.dma_semaphore, #tpu.memory_space<semaphore_mem>>
      %dma_wait3A_94 = arith.constant 0 : i32
      %dma_wait3A_95 = arith.constant 0 : i32
      %dma_wait3A_96 = tpu.memref_slice %arg5[%rem3A_78, %dma_wait3A_94, %dma_wait3A_95] : memref<8x256x1024xf32, #tpu.memory_space<vmem>> -> memref<1x256x1024xf32, #tpu.memory_space<vmem>>
      %dma_wait3A_97 = tpu.memref_squeeze %dma_wait3A_96 : memref<1x256x1024xf32, #tpu.memory_space<vmem>> -> memref<256x1024xf32, #tpu.memory_space<vmem>>
      %dma_wait3A_98 = arith.constant 0 : i32
      %dma_wait3A_99 = tpu.memref_slice %arg2[%arg0, %mul3A_92, %dma_wait3A_98] : memref<16x2048x1024xf32, #tpu.memory_space<hbm>> -> memref<1x256x1024xf32, #tpu.memory_space<hbm>>
      %dma_wait3A_100 = tpu.memref_squeeze %dma_wait3A_99 : memref<1x256x1024xf32, #tpu.memory_space<hbm>> -> memref<256x1024xf32, #tpu.memory_space<hbm>>
      tpu.wait_dma2 semaphore(%dma_wait3A_93 : memref<!tpu.dma_semaphore, #tpu.memory_space<semaphore_mem>>) src(%dma_wait3A_100 : memref<256x1024xf32, #tpu.memory_space<hbm>>) dst(%dma_wait3A_97 : memref<256x1024xf32, #tpu.memory_space<vmem>>)
      %get3A_101 = arith.index_cast %rem3A_78 : i32 to index
      %get3A_102 = arith.constant 0 : index
      %get3A_103 = arith.constant 0 : index
      %get3A_104 = vector.load %arg5[%get3A_101, %get3A_102, %get3A_103] : memref<8x256x1024xf32, #tpu.memory_space<vmem>>, vector<1x256x1024xf32>
      %get3A_105 = vector.shape_cast %get3A_104 : vector<1x256x1024xf32> to vector<256x1024xf32>
      %exp3A = math.exp %get3A_105 : vector<256x1024xf32>
      %reduce_sum3A = arith.constant dense<0.000000e+00> : vector<256xf32>
      %reduce_sum3A_106 = vector.multi_reduction <add>, %exp3A, %reduce_sum3A [1] : vector<256x1024xf32> to vector<256xf32>
      %broadcast_in_dim3A = vector.shape_cast %reduce_sum3A_106 : vector<256xf32> to vector<256x1xf32>
      %mul3A_107 = arith.constant 256 : i32
      %mul3A_108 = arith.muli %while3A_75, %mul3A_107 : i32
      %iota3A = tpu.iota {dimensions = array<i32: 0>} : vector<256x1xi32>
      %add3A_109 = vector.broadcast %mul3A_108 : i32 to vector<256x1xi32>
      %add3A_110 = arith.addi %add3A_109, %iota3A : vector<256x1xi32>
      %lt3A_111 = vector.broadcast %get3A_0 : i32 to vector<256x1xi32>
      %lt3A_112 = arith.cmpi slt, %add3A_110, %lt3A_111 : vector<256x1xi32>
      %log3A = math.log %broadcast_in_dim3A : vector<256x1xf32>
      %jit3A_113 = arith.constant 0.000000e+00 : f32
      %broadcast_in_dim3A_114 = vector.broadcast %jit3A_113 : f32 to vector<256x1xf32>
      %select_n3A_115 = arith.select %lt3A_112, %log3A, %broadcast_in_dim3A_114 : vector<256x1xi1>, vector<256x1xf32>
      %jit3A_116 = arith.constant 1.000000e+00 : f32
      %jit3A_117 = arith.constant 0.000000e+00 : f32
      %broadcast_in_dim3A_118 = vector.broadcast %jit3A_116 : f32 to vector<256x1xf32>
      %broadcast_in_dim3A_119 = vector.broadcast %jit3A_117 : f32 to vector<256x1xf32>
      %select_n3A_120 = arith.select %lt3A_112, %broadcast_in_dim3A_118, %broadcast_in_dim3A_119 : vector<256x1xi1>, vector<256x1xf32>
      %reshape3A = vector.shape_cast %select_n3A_115 : vector<256x1xf32> to vector<256xf32>
      %mul3A_121 = arith.constant 256 : i32
      %mul3A_122 = arith.muli %while3A_75, %mul3A_121 : i32
      %swap3A = arith.index_cast %arg0 : i32 to index
      %swap3A_123 = arith.index_cast %mul3A_122 : i32 to index
      %swap3A_124 = vector.load %arg3[%swap3A, %swap3A_123] : memref<16x2048xf32, #tpu.memory_space<vmem>>, vector<1x256xf32>
      %swap3A_125 = vector.shape_cast %swap3A_124 : vector<1x256xf32> to vector<256xf32>
      %swap3A_126 = vector.shape_cast %reshape3A : vector<256xf32> to vector<1x256xf32>
      tpu.vector_store %arg3[%swap3A, %swap3A_123], %swap3A_126 {strides = array<i32>} : memref<16x2048xf32, #tpu.memory_space<vmem>>, vector<1x256xf32>,
      %reshape3A_127 = vector.shape_cast %select_n3A_120 : vector<256x1xf32> to vector<256xf32>
      %mul3A_128 = arith.constant 256 : i32
      %mul3A_129 = arith.muli %while3A_75, %mul3A_128 : i32
      %swap3A_130 = arith.index_cast %arg0 : i32 to index
      %swap3A_131 = arith.index_cast %mul3A_129 : i32 to index
      %swap3A_132 = vector.load %arg4[%swap3A_130, %swap3A_131] : memref<16x2048xf32, #tpu.memory_space<vmem>>, vector<1x256xf32>
      %swap3A_133 = vector.shape_cast %swap3A_132 : vector<1x256xf32> to vector<256xf32>
      %swap3A_134 = vector.shape_cast %reshape3A_127 : vector<256xf32> to vector<1x256xf32>
      tpu.vector_store %arg4[%swap3A_130, %swap3A_131], %swap3A_134 {strides = array<i32>} : memref<16x2048xf32, #tpu.memory_space<vmem>>, vector<1x256xf32>,
      %while3A_135 = arith.constant 0 : i32
      scf.yield %while3A_135 : i32
    }
    %while3A_61 = arith.constant 1 : i32
    %while3A_62 = scf.for %while3A_75 = %while3A_58 to %while3A_54 step %while3A_61 iter_args(%while3A_76 = %while3A_60) -> (i32)  : i32 {
      %rem3A_77 = arith.constant 8 : i32
      %rem3A_78 = arith.remsi %while3A_75, %rem3A_77 : i32
      %add3A_79 = arith.constant 8 : i32
      %add3A_80 = arith.addi %while3A_75, %add3A_79 : i32
      %sub3A_81 = arith.constant 1 : i32
      %sub3A_82 = arith.subi %add3A_80, %sub3A_81 : i32
      %rem3A_83 = arith.constant 8 : i32
      %rem3A_84 = arith.remsi %sub3A_82, %rem3A_83 : i32
      %add3A_85 = arith.constant 8 : i32
      %add3A_86 = arith.addi %while3A_75, %add3A_85 : i32
      %sub3A_87 = arith.constant 1 : i32
      %sub3A_88 = arith.subi %add3A_86, %sub3A_87 : i32
      %lt3A = arith.cmpi slt, %sub3A_88, %select_n3A : i32
      %convert_element_type3A_89 = arith.extui %lt3A : i1 to i32
      %cond3A_90 = arith.constant 0 : i32
      %cond3A_91 = arith.cmpi ne, %convert_element_type3A_89, %cond3A_90 : i32
      scf.if %cond3A_91 {
        %add3A_136 = arith.constant 8 : i32
        %add3A_137 = arith.addi %while3A_75, %add3A_136 : i32
        %sub3A_138 = arith.constant 1 : i32
        %sub3A_139 = arith.subi %add3A_137, %sub3A_138 : i32
        %mul3A_140 = arith.constant 256 : i32
        %mul3A_141 = arith.muli %sub3A_139, %mul3A_140 : i32
        %dma_start3A = tpu.memref_slice %arg6[%rem3A_84] : memref<8x!tpu.dma_semaphore, #tpu.memory_space<semaphore_mem>> -> memref<1x!tpu.dma_semaphore, #tpu.memory_space<semaphore_mem>>
        %dma_start3A_142 = tpu.memref_squeeze %dma_start3A : memref<1x!tpu.dma_semaphore, #tpu.memory_space<semaphore_mem>> -> memref<!tpu.dma_semaphore, #tpu.memory_space<semaphore_mem>>
        %dma_start3A_143 = arith.constant 0 : i32
        %dma_start3A_144 = arith.constant 0 : i32
        %dma_start3A_145 = tpu.memref_slice %arg5[%rem3A_84, %dma_start3A_143, %dma_start3A_144] : memref<8x256x1024xf32, #tpu.memory_space<vmem>> -> memref<1x256x1024xf32, #tpu.memory_space<vmem>>
        %dma_start3A_146 = tpu.memref_squeeze %dma_start3A_145 : memref<1x256x1024xf32, #tpu.memory_space<vmem>> -> memref<256x1024xf32, #tpu.memory_space<vmem>>
        %dma_start3A_147 = arith.constant 0 : i32
        %dma_start3A_148 = tpu.memref_slice %arg2[%arg0, %mul3A_141, %dma_start3A_147] : memref<16x2048x1024xf32, #tpu.memory_space<hbm>> -> memref<1x256x1024xf32, #tpu.memory_space<hbm>>
        %dma_start3A_149 = tpu.memref_squeeze %dma_start3A_148 : memref<1x256x1024xf32, #tpu.memory_space<hbm>> -> memref<256x1024xf32, #tpu.memory_space<hbm>>
        tpu.enqueue_dma source(%dma_start3A_149 : memref<256x1024xf32, #tpu.memory_space<hbm>>) target(%dma_start3A_146 : memref<256x1024xf32, #tpu.memory_space<vmem>>) target_semaphore(%dma_start3A_142 : memref<!tpu.dma_semaphore, #tpu.memory_space<semaphore_mem>>)
      } else {
      }
      %mul3A = arith.constant 256 : i32
      %mul3A_92 = arith.muli %while3A_75, %mul3A : i32
      %dma_wait3A = tpu.memref_slice %arg6[%rem3A_78] : memref<8x!tpu.dma_semaphore, #tpu.memory_space<semaphore_mem>> -> memref<1x!tpu.dma_semaphore, #tpu.memory_space<semaphore_mem>>
      %dma_wait3A_93 = tpu.memref_squeeze %dma_wait3A : memref<1x!tpu.dma_semaphore, #tpu.memory_space<semaphore_mem>> -> memref<!tpu.dma_semaphore, #tpu.memory_space<semaphore_mem>>
      %dma_wait3A_94 = arith.constant 0 : i32
      %dma_wait3A_95 = arith.constant 0 : i32
      %dma_wait3A_96 = tpu.memref_slice %arg5[%rem3A_78, %dma_wait3A_94, %dma_wait3A_95] : memref<8x256x1024xf32, #tpu.memory_space<vmem>> -> memref<1x256x1024xf32, #tpu.memory_space<vmem>>
      %dma_wait3A_97 = tpu.memref_squeeze %dma_wait3A_96 : memref<1x256x1024xf32, #tpu.memory_space<vmem>> -> memref<256x1024xf32, #tpu.memory_space<vmem>>
      %dma_wait3A_98 = arith.constant 0 : i32
      %dma_wait3A_99 = tpu.memref_slice %arg2[%arg0, %mul3A_92, %dma_wait3A_98] : memref<16x2048x1024xf32, #tpu.memory_space<hbm>> -> memref<1x256x1024xf32, #tpu.memory_space<hbm>>
      %dma_wait3A_100 = tpu.memref_squeeze %dma_wait3A_99 : memref<1x256x1024xf32, #tpu.memory_space<hbm>> -> memref<256x1024xf32, #tpu.memory_space<hbm>>
      tpu.wait_dma2 semaphore(%dma_wait3A_93 : memref<!tpu.dma_semaphore, #tpu.memory_space<semaphore_mem>>) src(%dma_wait3A_100 : memref<256x1024xf32, #tpu.memory_space<hbm>>) dst(%dma_wait3A_97 : memref<256x1024xf32, #tpu.memory_space<vmem>>)
      %get3A_101 = arith.index_cast %rem3A_78 : i32 to index
      %get3A_102 = arith.constant 0 : index
      %get3A_103 = arith.constant 0 : index
      %get3A_104 = vector.load %arg5[%get3A_101, %get3A_102, %get3A_103] : memref<8x256x1024xf32, #tpu.memory_space<vmem>>, vector<1x256x1024xf32>
      %get3A_105 = vector.shape_cast %get3A_104 : vector<1x256x1024xf32> to vector<256x1024xf32>
      %exp3A = math.exp %get3A_105 : vector<256x1024xf32>
      %reduce_sum3A = arith.constant dense<0.000000e+00> : vector<256xf32>
      %reduce_sum3A_106 = vector.multi_reduction <add>, %exp3A, %reduce_sum3A [1] : vector<256x1024xf32> to vector<256xf32>
      %broadcast_in_dim3A = vector.shape_cast %reduce_sum3A_106 : vector<256xf32> to vector<256x1xf32>
      %mul3A_107 = arith.constant 256 : i32
      %mul3A_108 = arith.muli %while3A_75, %mul3A_107 : i32
      %iota3A = tpu.iota {dimensions = array<i32: 0>} : vector<256x1xi32>
      %add3A_109 = vector.broadcast %mul3A_108 : i32 to vector<256x1xi32>
      %add3A_110 = arith.addi %add3A_109, %iota3A : vector<256x1xi32>
      %lt3A_111 = vector.broadcast %get3A_0 : i32 to vector<256x1xi32>
      %lt3A_112 = arith.cmpi slt, %add3A_110, %lt3A_111 : vector<256x1xi32>
      %log3A = math.log %broadcast_in_dim3A : vector<256x1xf32>
      %jit3A_113 = arith.constant 0.000000e+00 : f32
      %broadcast_in_dim3A_114 = vector.broadcast %jit3A_113 : f32 to vector<256x1xf32>
      %select_n3A_115 = arith.select %lt3A_112, %log3A, %broadcast_in_dim3A_114 : vector<256x1xi1>, vector<256x1xf32>
      %jit3A_116 = arith.constant 1.000000e+00 : f32
      %jit3A_117 = arith.constant 0.000000e+00 : f32
      %broadcast_in_dim3A_118 = vector.broadcast %jit3A_116 : f32 to vector<256x1xf32>
      %broadcast_in_dim3A_119 = vector.broadcast %jit3A_117 : f32 to vector<256x1xf32>
      %select_n3A_120 = arith.select %lt3A_112, %broadcast_in_dim3A_118, %broadcast_in_dim3A_119 : vector<256x1xi1>, vector<256x1xf32>
      %reshape3A = vector.shape_cast %select_n3A_115 : vector<256x1xf32> to vector<256xf32>
      %mul3A_121 = arith.constant 256 : i32
      %mul3A_122 = arith.muli %while3A_75, %mul3A_121 : i32
      %swap3A = arith.index_cast %arg0 : i32 to index
      %swap3A_123 = arith.index_cast %mul3A_122 : i32 to index
      %swap3A_124 = vector.load %arg3[%swap3A, %swap3A_123] : memref<16x2048xf32, #tpu.memory_space<vmem>>, vector<1x256xf32>
      %swap3A_125 = vector.shape_cast %swap3A_124 : vector<1x256xf32> to vector<256xf32>
      %swap3A_126 = vector.shape_cast %reshape3A : vector<256xf32> to vector<1x256xf32>
      tpu.vector_store %arg3[%swap3A, %swap3A_123], %swap3A_126 {strides = array<i32>} : memref<16x2048xf32, #tpu.memory_space<vmem>>, vector<1x256xf32>,
      %reshape3A_127 = vector.shape_cast %select_n3A_120 : vector<256x1xf32> to vector<256xf32>
      %mul3A_128 = arith.constant 256 : i32
      %mul3A_129 = arith.muli %while3A_75, %mul3A_128 : i32
      %swap3A_130 = arith.index_cast %arg0 : i32 to index
      %swap3A_131 = arith.index_cast %mul3A_129 : i32 to index
      %swap3A_132 = vector.load %arg4[%swap3A_130, %swap3A_131] : memref<16x2048xf32, #tpu.memory_space<vmem>>, vector<1x256xf32>
      %swap3A_133 = vector.shape_cast %swap3A_132 : vector<1x256xf32> to vector<256xf32>
      %swap3A_134 = vector.shape_cast %reshape3A_127 : vector<256xf32> to vector<1x256xf32>
      tpu.vector_store %arg4[%swap3A_130, %swap3A_131], %swap3A_134 {strides = array<i32>} : memref<16x2048xf32, #tpu.memory_space<vmem>>, vector<1x256xf32>,
      %while3A_135 = arith.constant 0 : i32
      scf.yield %while3A_135 : i32
    }
    %while3A_63 = arith.constant 8 : i32
    %while3A_64 = arith.constant 0 : i32
    %while3A_65 = arith.subi %while3A_63, %select_n3A : i32
    %while3A_66 = arith.addi %select_n3A, %while3A_65 : i32
    %while3A_67 = arith.constant 1 : i32
    %while3A_68 = arith.divsi %while3A_65, %while3A_67 : i32
    %while3A_69 = arith.muli %while3A_68, %while3A_67 : i32
    %while3A_70 = arith.addi %select_n3A, %while3A_69 : i32
    %while3A_71 = arith.constant 1 : i32
    %while3A_72 = scf.for %while3A_75 = %select_n3A to %while3A_70 step %while3A_71 iter_args(%while3A_76 = %while3A_64) -> (i32)  : i32 {
      %broadcast_in_dim3A = arith.constant 0.000000e+00 : f32
      %broadcast_in_dim3A_77 = vector.broadcast %broadcast_in_dim3A : f32 to vector<256xf32>
      %mul3A = arith.constant 256 : i32
      %mul3A_78 = arith.muli %while3A_75, %mul3A : i32
      %swap3A = arith.index_cast %arg0 : i32 to index
      %swap3A_79 = arith.index_cast %mul3A_78 : i32 to index
      %swap3A_80 = vector.load %arg3[%swap3A, %swap3A_79] : memref<16x2048xf32, #tpu.memory_space<vmem>>, vector<1x256xf32>
      %swap3A_81 = vector.shape_cast %swap3A_80 : vector<1x256xf32> to vector<256xf32>
      %swap3A_82 = vector.shape_cast %broadcast_in_dim3A_77 : vector<256xf32> to vector<1x256xf32>
      tpu.vector_store %arg3[%swap3A, %swap3A_79], %swap3A_82 {strides = array<i32>} : memref<16x2048xf32, #tpu.memory_space<vmem>>, vector<1x256xf32>,
      %broadcast_in_dim3A_83 = arith.constant 0.000000e+00 : f32
      %broadcast_in_dim3A_84 = vector.broadcast %broadcast_in_dim3A_83 : f32 to vector<256xf32>
      %mul3A_85 = arith.constant 256 : i32
      %mul3A_86 = arith.muli %while3A_75, %mul3A_85 : i32
      %swap3A_87 = arith.index_cast %arg0 : i32 to index
      %swap3A_88 = arith.index_cast %mul3A_86 : i32 to index
      %swap3A_89 = vector.load %arg4[%swap3A_87, %swap3A_88] : memref<16x2048xf32, #tpu.memory_space<vmem>>, vector<1x256xf32>
      %swap3A_90 = vector.shape_cast %swap3A_89 : vector<1x256xf32> to vector<256xf32>
      %swap3A_91 = vector.shape_cast %broadcast_in_dim3A_84 : vector<256xf32> to vector<1x256xf32>
      tpu.vector_store %arg4[%swap3A_87, %swap3A_88], %swap3A_91 {strides = array<i32>} : memref<16x2048xf32, #tpu.memory_space<vmem>>, vector<1x256xf32>,
      %while3A_92 = arith.constant 0 : i32
      scf.yield %while3A_92 : i32
    }
    %while3A_73 = arith.constant 1 : i32
    %while3A_74 = scf.for %while3A_75 = %while3A_70 to %while3A_66 step %while3A_73 iter_args(%while3A_76 = %while3A_72) -> (i32)  : i32 {
      %broadcast_in_dim3A = arith.constant 0.000000e+00 : f32
      %broadcast_in_dim3A_77 = vector.broadcast %broadcast_in_dim3A : f32 to vector<256xf32>
      %mul3A = arith.constant 256 : i32
      %mul3A_78 = arith.muli %while3A_75, %mul3A : i32
      %swap3A = arith.index_cast %arg0 : i32 to index
      %swap3A_79 = arith.index_cast %mul3A_78 : i32 to index
      %swap3A_80 = vector.load %arg3[%swap3A, %swap3A_79] : memref<16x2048xf32, #tpu.memory_space<vmem>>, vector<1x256xf32>
      %swap3A_81 = vector.shape_cast %swap3A_80 : vector<1x256xf32> to vector<256xf32>
      %swap3A_82 = vector.shape_cast %broadcast_in_dim3A_77 : vector<256xf32> to vector<1x256xf32>
      tpu.vector_store %arg3[%swap3A, %swap3A_79], %swap3A_82 {strides = array<i32>} : memref<16x2048xf32, #tpu.memory_space<vmem>>, vector<1x256xf32>,
      %broadcast_in_dim3A_83 = arith.constant 0.000000e+00 : f32
      %broadcast_in_dim3A_84 = vector.broadcast %broadcast_in_dim3A_83 : f32 to vector<256xf32>
      %mul3A_85 = arith.constant 256 : i32
      %mul3A_86 = arith.muli %while3A_75, %mul3A_85 : i32
      %swap3A_87 = arith.index_cast %arg0 : i32 to index
      %swap3A_88 = arith.index_cast %mul3A_86 : i32 to index
      %swap3A_89 = vector.load %arg4[%swap3A_87, %swap3A_88] : memref<16x2048xf32, #tpu.memory_space<vmem>>, vector<1x256xf32>
      %swap3A_90 = vector.shape_cast %swap3A_89 : vector<1x256xf32> to vector<256xf32>
      %swap3A_91 = vector.shape_cast %broadcast_in_dim3A_84 : vector<256xf32> to vector<1x256xf32>
      tpu.vector_store %arg4[%swap3A_87, %swap3A_88], %swap3A_91 {strides = array<i32>} : memref<16x2048xf32, #tpu.memory_space<vmem>>, vector<1x256xf32>,
      %while3A_92 = arith.constant 0 : i32
      scf.yield %while3A_92 : i32
    }
    return
  }
  func.func @transform_1(%arg0: i32, %arg1: memref<16xi32, #tpu.memory_space<smem>>) -> (i32, i32) {
    %c0_i32 = arith.constant 0 : i32
    %c0_i32_0 = arith.constant 0 : i32
    %c0_i32_1 = arith.constant 0 : i32
    return %c0_i32, %c0_i32_0 : i32, i32
  }
  func.func @transform_2(%arg0: i32, %arg1: memref<16xi32, #tpu.memory_space<smem>>) -> (i32, i32) {
    %c0_i32 = arith.constant 0 : i32
    %c0_i32_0 = arith.constant 0 : i32
    %c0_i32_1 = arith.constant 0 : i32
    return %c0_i32, %c0_i32_0 : i32, i32
  }
}

</mosaic_0001>

<sc_bundles>
// kernel: kernel.5.cloned.1.call-start
scs
__scs_entry_jumppad:
0x0: {  	(pc) =	sbr.rel $0x88, $3  }
0x1: {  	(tag) =	ssettag $0x0;
	lr =	simm.s32 $0x1  }
0x2: {  	[smem:$0x3F9E] =	sst lr;
	_ =	strace $0xD0000000  }
0x3: {  	_ = 	snop  }
0x4: {  	_ = 	snop  }
0x5: {  	_ = 	snop  }
0x6: {  	_ = 	snop  }
0x7: {  	_ = 	snop  }
__scs_overlays_trampoline_lowered:
0x8: {  	[smem:$0x3FAD] =	sst s0  }
0x9: {  	[smem:$0x3FAE] =	sst s1  }
0xa: {  	[smem:$0x3FAF] =	sst s2  }
0xb: {  	[smem:$0x3FB0] =	sst s3  }
0xc: {  	[smem:$0x3FB1] =	sst s4  }
0xd: {  	[smem:$0x3FB2] =	sst s5  }
0xe: {  	[smem:$0x3FB3] =	sst s6  }
0xf: {  	[smem:$0x3FB4] =	sst s7  }
0x10: {  	[smem:$0x3FB5] =	sst s8  }
0x11: {  	[smem:$0x3FB6] =	sst s9;
	s0 =	simm.s32 @!p0 $0x0  }
0x12: {  	s1 =	sld [smem:$0x3F9C];
	s0 =	simm.s32 @p0 $0x1  }
0x13: {  	[smem:$0x3FB7] =	sst s0;
	s0 =	simm.s32 @!p1 $0x0  }
0x14: {  	s2 =	sld [smem:$0x3F9B];
	s0 =	simm.s32 @p1 $0x1  }
0x15: {  	[smem:$0x3FB8] =	sst s0;
	s0 =	simm.s32 @!p2 $0x0  }
0x16: {  	s3 =	sld [smem:$0x3FDB];
	s0 =	simm.s32 @p2 $0x1  }
0x17: {  	s4 =	simm.s32 $0x1BF5;
	[smem:$0x3FBA] =	sst s0  }
0x18: {  	s0 =	sld [smem:$0x3F9D];
	_ =	swait.ge [sflag:s4], $0x0  }
0x19: {  	s7 =	sld [smem:$0x3F9E]  }
0x1a: {  	s8 =	sadd.s32 $0xFFFFE003, lr  }
0x1b: {  	s9 =	sadd.s32 $0xFFFFFEF7, lr;
	s5 =	simm.s32 $0xFFFFFFFF;
	p2 =	slt.u32 s8, $0xFFFFF086  }
0x1c: {  	p1 =	slt.u32 s9, $0xF7A;
	s5 =	simm.s32 @!p2 $0x0  }
0x1d: {  	s5 =	simm.s32 @p1 $0x1;
	p0 =	seq.s32 s7, s2  }
0x1e: {  	s7 =	smul.u32 @!p0 $0xF7A, s2;
	p2 =	seq.s32 @!p0 s5, $0x0  }
0x1f: {  	s9 =	smul.u32 $0xF7A, s1;
	s8 =	simm.s32 @!p0 $0x1BF5;
	p2 =	por !p2, p0  }
0x20: {  	[sflag:s8] =	ssyncset.s32 @!p0 $0xFFFFF086;
	s6 =	sadd.s32 @!p0 s3, s7;
	s7 =	simm.s32 @!p0 $0x108  }
0x21: {  	s3 =	sadd.s32 s3, s9;
	s6 =	sadd.s32 @!p0 $0x88, s6;
	s7 =	simm.s32 @p2 $0x1082  }
0x22: {  	[simem:s7], [sflag:s8] =	dma.local @!p0 [hbm:s6], $0xF7A  }
0x23: {  	s9 =	sor.u32 $0xD0000000, s2;
	s6 =	simm.s32 $0x108;
	_ =	swait.ge @!p0 [sflag:s8], $0x0  }
0x24: {  	s3 =	sadd.s32 $0x88, s3;
	s6 =	simm.s32 @!p1 $0x1082;
	[sflag:s4] =	ssyncset.s32 $0xFFFFF086  }
0x25: {  	[simem:s6], [sflag:s4] =	dma.local [hbm:s3], $0xF7A  }
0x26: {  	[smem:$0x3F9E] =	sst s1;
	(tag) =	ssettag s2;
	_ =	strace s9  }
0x27: {  	s1 =	sld [smem:$0x3FAE]  }
0x28: {  	s2 =	sld [smem:$0x3FAF]  }
0x29: {  	s4 =	sld [smem:$0x3FB1]  }
0x2a: {  	p0 =	seq.s32 s5, $0x0;
	s5 =	sld [smem:$0x3FB2]  }
0x2b: {  	s6 =	sld [smem:$0x3FB3]  }
0x2c: {  	s7 =	sld [smem:$0x3FB4]  }
0x2d: {  	s3 =	simm.s32 $0x108;
	s8 =	sld [smem:$0x3FB5]  }
0x2e: {  	s3 =	simm.s32 @!p0 $0x1082;
	s9 =	sld [smem:$0x3FB6]  }
0x2f: {  	lr =	sadd.s32 s0, s3;
	s0 =	sld [smem:$0x3FAD]  }
0x30: {  	s3 =	sld [smem:$0x3FB0]  }
0x31: {  	[smem:$0x3FB9] =	sst s10  }
0x32: {  	s10 =	sld [smem:$0x3FB7];
	_ =	sdelay $0x3  }
0x33: {  	p0 =	seq.s32 s10, $0x1;
	s10 =	sld [smem:$0x3FB9];
	_ =	sdelay $0x3  }
0x34: {  	[smem:$0x3FB9] =	sst s10  }
0x35: {  	s10 =	sld [smem:$0x3FB8];
	_ =	sdelay $0x3  }
0x36: {  	p1 =	seq.s32 s10, $0x1;
	s10 =	sld [smem:$0x3FB9];
	_ =	sdelay $0x3  }
0x37: {  	[smem:$0x3FB9] =	sst s10  }
0x38: {  	s10 =	sld [smem:$0x3FBA]  }
0x39: {  	_ = 	snop;
	(pc) =	sbr.ind lr, $3  }
0x3a: {  	_ = 	snop  }
0x3b: {  	_ = 	snop  }
0x3c: {  	p2 =	seq.s32 s10, $0x1;
	s10 =	sld [smem:$0x3FB9]  }
0x3d: {  	_ =	shalt  }
0x3e: {  	_ =	shalt  }
0x3f: {  	_ =	shalt  }
0x40: {  	_ =	shalt  }
0x41: {  	_ =	shalt  }
0x42: {  	_ =	shalt  }
0x43: {  	_ =	shalt  }
0x44: {  	_ =	shalt  }
0x45: {  	_ =	shalt  }
0x46: {  	_ =	shalt  }
0x47: {  	_ =	shalt  }
0x48: {  	_ =	shalt  }
0x49: {  	_ =	shalt  }
0x4a: {  	_ =	shalt  }
0x4b: {  	_ =	shalt  }
0x4c: {  	_ =	shalt  }
0x4d: {  	_ =	shalt  }
0x4e: {  	_ =	shalt  }
0x4f: {  	_ =	shalt  }
0x50: {  	_ =	shalt  }
0x51: {  	_ =	shalt  }
0x52: {  	_ =	shalt  }
0x53: {  	_ =	shalt  }
0x54: {  	_ =	shalt  }
0x55: {  	_ =	shalt  }
0x56: {  	_ =	shalt  }
0x57: {  	_ =	shalt  }
0x58: {  	_ =	shalt  }
0x59: {  	_ =	shalt  }
0x5a: {  	_ =	shalt  }
0x5b: {  	_ =	shalt  }
0x5c: {  	_ =	shalt  }
0x5d: {  	_ =	shalt  }
0x5e: {  	_ =	shalt  }
0x5f: {  	_ =	shalt  }
0x60: {  	_ =	shalt  }
0x61: {  	_ =	shalt  }
0x62: {  	_ =	shalt  }
0x63: {  	_ =	shalt  }
0x64: {  	_ =	shalt  }
0x65: {  	_ =	shalt  }
0x66: {  	_ =	shalt  }
0x67: {  	_ =	shalt  }
0x68: {  	_ =	shalt  }
0x69: {  	_ =	shalt  }
0x6a: {  	_ =	shalt  }
0x6b: {  	_ =	shalt  }
0x6c: {  	_ =	shalt  }
0x6d: {  	_ =	shalt  }
0x6e: {  	_ =	shalt  }
0x6f: {  	_ =	shalt  }
0x70: {  	_ =	shalt  }
0x71: {  	_ =	shalt  }
0x72: {  	_ =	shalt  }
0x73: {  	_ =	shalt  }
0x74: {  	_ =	shalt  }
0x75: {  	_ =	shalt  }
0x76: {  	_ =	shalt  }
0x77: {  	_ =	shalt  }
0x78: {  	_ =	shalt  }
0x79: {  	_ =	shalt  }
0x7a: {  	_ =	shalt  }
0x7b: {  	_ =	shalt  }
0x7c: {  	_ =	shalt  }
0x7d: {  	_ =	shalt  }
0x7e: {  	_ =	shalt  }
0x7f: {  	_ =	shalt  }
0x80: {  	_ =	shalt  }
0x81: {  	_ =	shalt  }
0x82: {  	_ =	shalt  }
0x83: {  	_ =	shalt  }
0x84: {  	_ =	shalt  }
0x85: {  	_ =	shalt  }
0x86: {  	_ =	shalt  }
0x87: {  	_ =	shalt  }
.Lfunc_end0:
.L_simem_size_0:
called_computation_lowered:
.L_overlay_start_0:
0x88: {  	s2 =	sld [smem:$0x3FD9]  }
0x89: {  	s3 =	sld [smem:$0x3FFE];
	_ =	sdelay $0x1  }
0x8a: {  	s1 =	srdreg.scid  }
0x8b: {  	s0 =	sand.u32 $0x1, s1  }
0x8c: {  	s17 =	sshll.u32 s0, $0xA;
	s2 =	sadd.s32 s3, s2  }
0x8d: {  	s2 =	sadd.s32 s2, s17  }
0x8e: {  	[smem:$0x3FC5] =	sst s2  }
0x8f: {  	_ = 	snop  }
0x90: {  	s2 =	sld [smem:$0x3FC9]  }
0x91: {  	s18 =	sld [smem:$0x3FC7];
	(tm) =	ssettm $0x1  }
0x92: {  	s4 =	sld [smem:$0x3FFB];
	_ =	sdelay $0x3  }
0x93: {  	_ =	strace s4  }
0x94: {  	s4 =	sld [smem:$0x3FFC];
	_ =	sdelay $0x3  }
0x95: {  	_ =	strace s4  }
0x96: {  	s4 =	sld [smem:$0x3FFD];
	_ =	sdelay $0x3  }
0x97: {  	_ =	strace s4  }
0x98: {  	_ =	strace $0x8FFFFFFF  }
0x99: {  	s19 =	sld [smem:$0x3FDB];
	_ =	sdelay $0x1  }
0x9a: {  	s5 =	simm.s32 $_scs_section_size  }
0x9b: {  	s6 =	simm.s32 $_size__tile_overlayer_lowered;
	s7 =	simm.s32 $_tile_overlayer_lowered  }
0x9c: {  	s22 =	simm.s32 $0x1BFF;
	s21 =	sshll.u32 s7, $0x1;
	s4 =	sadd.s32 s5, s19  }
0x9d: {  	s8 =	simm.s32 $0x0;
	s20 =	sshll.u32 s6, $0x1;
	s6 =	sadd.s32 s21, s4  }
0x9e: {  	[timem:s8], [sflag:s22] =	dma.local [hbm:s6], s20  }
0x9f: {  	_ =	swait.ge [sflag:s22], s20  }
0xa0: {  	s5 =	ssub.s32 $0x0, s20;
	[sflag:s22] =	ssyncset.done $0x0  }
0xa1: {  	[sflag:s22] =	ssyncadd.s32 s5;
	_ =	sdelay $0x1  }
0xa2: {  	s23 =	simm.s32 $0x1B8B  }
0xa3: {  	_ =	swait.ge [sflag:s23], $0x1  }
0xa4: {  	[sflag:s23] =	ssyncset.done $0x0  }
0xa5: {  	s25 =	simm.s32 $0x1B8E;
	s24 =	sld [smem:$0x3FFE];
	[sflag:s23] =	ssyncadd.s32 $0xFFFFFFFF  }
0xa6: {  	s26 =	simm.s32 $execute0_lowered;
	[smem:$0x3FD2] =	sst s25  }
0xa7: {  	s6 =	sshll.u32 s26, $0x1;
	_ =	strace $0x80000046;
	[dreg:$0x1] =	wrdreg $0xFFFFFFFF  }
0xa8: {  	s28 =	simm.s32 $_size_execute0_lowered;
	s4 =	sadd.s32 s4, s6;
	[dreg:$0x0] =	wrdreg $0x0  }
0xa9: {  	s6 =	sshll.u32 s28, $0x1;
	[dreg:$0x2] =	wrdreg s4  }
0xaa: {  	[dreg:$0x3] =	wrdreg s6  }
0xab: {  	[dreg:$0x4] =	wrdreg $0xC0  }
0xac: {  	_ =	task [dreg:s8], $0x5FFFF  }
0xad: {  	[dreg:$0x1] =	wrdreg $0xFFFFFFFF  }
0xae: {  	[dreg:$0x0] =	wrdreg $0x60  }
0xaf: {  	[dreg:$0x2] =	wrdreg s24  }
0xb0: {  	[dreg:$0x3] =	wrdreg s2  }
0xb1: {  	[dreg:$0x4] =	wrdreg s18  }
0xb2: {  	[dreg:$0x5] =	wrdreg $0x9  }
0xb3: {  	_ =	task.clear_ibuf [dreg:s8], $0x6FFFF;
	_ =	strace $0x90000046  }
0xb4: {  	s29 =	simm.s32 $0x9;
	_ =	strace $0x80000048  }
0xb5: {  	_ =	swait.ge [sflag:s29], $0x1  }
0xb6: {  	[sflag:s29] =	ssyncadd.s32 $0xFFFFFFFF  }
0xb7: {  	_ =	strace $0x90000048  }
0xb8: {  	_ =	sfence  }
0xb9: {  	s30 =	sld [smem:$0x0];
	_ =	sdelay $0x2  }
0xba: {  	s31 =	sshll.u32 s1, $0xD;
	s1 =	sshrl.u32 s1, $0x2  }
0xbb: {  	s3 =	sand.u32 $0x4000, s31;
	s1 =	sadd.s32 s1, s30  }
0xbc: {  	s0 =	sor.u32 s3, s0;
	s1 =	sshll.u32 s1, $0x11  }
0xbd: {  	s0 =	sor.u32 s1, s0  }
0xbe: {  	s0 =	sadd.s32 $0x8F2B, s0  }
0xbf: {  	[sflag:s0] =	ssyncadd.remote.s32 $0x1  }
0xc0: {  	_ =	sfence.sel $0xFFFF  }
0xc1: {  	[dreg:$0x0] =	wrdreg $0xFFFFFFFF;
	(pc) =	sbr.abs _section_cstart, $3  }
0xc2: {  	[dreg:$0x1] =	wrdreg $0xFFFFFFFF  }
0xc3: {  	_ =	task.clear_ibuf [dreg:s8], $0x2FFFF;
	_ =	strace $0x9FFFFFFF  }
0xc4: {  	(tm) =	ssettm $0x7FFFFFFF  }
0xc5: {  	_ =	shalt  }
tec
execute0_lowered:
.L_overlay_start_1:
0x0: {  	(tag) =	ssettag $0x1  }
0x1: {  	s1 =	rddreg [dreg:$0x0]  }
0x2: {  	s2 =	rddreg [dreg:$0x1];
	s0 =	srdreg.scid  }
0x3: {  	s5 =	stileid.u32;
	s3 =	simm.s32 $0x0;
	s16 =	simm.s32 $0x7  }
0x4: {  	s18 =	simm.s32 $0x80;
	s20 =	simm.s32 $0x880;
	s22 =	simm.s32 $0x4880  }
0x5: {  	s23 =	simm.s32 $0x1;
	s28 =	simm.s32 $0x4;
	s30 =	simm.s32 $0x3  }
0x6: {  	s31 =	simm.s32 $0x5;
	s17 =	simm.s32 $0x700;
	s19 =	simm.s32 $0x780  }
0x7: {  	s21 =	simm.s32 $0x0;
	s4 =	sand.u32 $0x1, s0;
	s25 =	sshll.u32 s5, $0xB  }
0x8: {  	[smem:$0x7FF] =	sst s3;
	s5 =	sadd.s32 $0xC00, s1;
	s26 =	sshll.u32 s4, $0xA  }
0x9: {  	_ =	strace $0x80000047;
	s4 =	ssub.s32 $0x2, s4;
	s0 =	sor.u32 s26, s25  }
0xa: {  	s29 =	sshrl.u32 s4, $0x1;
	s25 =	simm.s32 $0x8880;
	s6 =	sshll.u32 s0, $0x4  }
0xb: {  	s26 =	simm.s32 $0x2;
	s4 =	ssub.s32 s4, s29;
	s1 =	sadd.s32 s6, s1  }
0xc: {  	s10 =	sshrl.u32 s0, $0x3;
	s6 =	sadd.s32 $0x400C00, s1;
	s7 =	sadd.s32 $0x401400, s1  }
0xd: {  	v0 =	vlaneseq.u32;
	s10 =	sadd.s32 s2, s10;
	s8 =	sadd.s32 $0x401C00, s1;
	s9 =	sadd.s32 $0x402400, s1  }
0xe: {  	v0 =	vmul.u32 $0x8, v0;
	s15 =	smax.u32 s4, $0x1;
	s11 =	sadd.s32 $0x402C00, s1;
	s12 =	sadd.s32 $0x403400, s1  }
0xf: {  	s13 =	sadd.s32 $0x403C00, s1;
	s14 =	sadd.s32 $0x404400, s1;
	s1 =	simm.s32 $0x6  }
.LBB2_1:
0x10: {  	[tilespmem:s3], [sflag:$0x7] =	stream.linear.gather [hbm4b:s10+s3], $0x400, $0x38;
	[tilespmem:$0xC880] =	vst v63  }
0x11: {  	_ =	swait.ge [sflag:s16], $0x400  }
0x12: {  	[sflag:s16] =	ssyncset.done $0x0  }
0x13: {  	[sflag:s16] =	ssyncadd.s32 $0xFFFFFC00  }
0x14: {  	s4 =	simm.s32 $0x800;
	s2 =	rddreg [dreg:$0x2]  }
0x15: {  	[tilespmem:s4], [sflag:$0x7] =	stream.linear.gather [hbm4b:s2+s3], $0x80, $0x38;
	[tilespmem:$0xC880] =	vst v63  }
0x16: {  	_ =	swait.ge [sflag:s16], $0x80  }
0x17: {  	[sflag:s16] =	ssyncset.done $0x0  }
0x18: {  	s24 =	simm.s32 $0x0;
	[sflag:s16] =	ssyncadd.s32 $0xFFFFFF80  }
0x19: {  	v1 =	vld [tilespmem:s24+$0x0];
	_ =	sdelay $0x2  }
0x1a: {  	v2 =	vmov s0  }
0x1b: {  	s29 =	simm.s32 $0x40;
	v2 =	vshll.u32 v2, $0x3;
	s4 =	smov.u32 s0  }
.LBB2_2:
0x1c: {  	s2 =	sshra.s32 s29, $0x2;
	p0 =	sne.s32 s29, $0xFC0;
	s29 =	sadd.s32 $0x40, s29;
	v2 =	vor.u32 v0, v2;
	v3 =	vshrl.u32 v1, $0x7  }
.Ltmp0:
0x1d: {  	v1 =	vld [tilespmem:s2+$0x0];
	v2 =	vadd.s32 v2, v3;
	(pc) =	sbr.rel @p0 .LBB2_2-.Ltmp0, $4  }
0x1e: {  	[tilespmem:s24+$0x400] =	vst v2;
	s24 =	smov.u32 s2  }
0x1f: {  	s4 =	sadd.s32 $0x10, s4  }
0x20: {  	v2 =	vmov s4  }
0x21: {  	v2 =	vshll.u32 v2, $0x3  }
0x22: {  	v2 =	vor.u32 v0, v2;
	v1 =	vshrl.u32 v1, $0x7  }
0x23: {  	v1 =	vadd.s32 v2, v1  }
0x24: {  	s2 =	simm.s32 $0x400;
	[tilespmem:s24+$0x400] =	vst v1  }
0x25: {  	[tilespmem:s20], [sflag:$0x1] =	stream.indirect.gather [hbm4b:s5+s18], $0x80, s2, s18, $0xb8;
	[tilespmem:$0xC880] =	vst v63  }
0x26: {  	s24 =	simm.s32 $0x480  }
0x27: {  	[tilespmem:s22], [sflag:$0x2] =	stream.indirect.gather [hbm4b:s5+s18], $0x80, s24, s18, $0xb8;
	[tilespmem:$0xC880] =	vst v63  }
0x28: {  	_ =	swait.ge [sflag:s23], $0x4000  }
0x29: {  	[sflag:s23] =	ssyncset.done $0x0  }
0x2a: {  	s29 =	simm.s32 $0x500;
	[sflag:s23] =	ssyncadd.s32 $0xFFFFC000  }
0x2b: {  	[tilespmem:s25], [sflag:$0x3] =	stream.indirect.gather [hbm4b:s5+s18], $0x80, s29, s18, $0xb8;
	[tilespmem:$0xC880] =	vst v63  }
0x2c: {  	_ = 	snop  }
0x2d: {  	[hbm4b:s6+s3] =	stream.linear.scatter [tilespmem:s20], [sflag:$0x4], $0x4000, $0x38;
	[tilespmem:$0xC880] =	vst v63  }
0x2e: {  	_ =	swait.ge [sflag:s26], $0x4000  }
0x2f: {  	[sflag:s26] =	ssyncset.done $0x0  }
0x30: {  	[sflag:s26] =	ssyncadd.s32 $0xFFFFC000  }
0x31: {  	_ =	swait.ge [sflag:s28], $0x4000  }
0x32: {  	[sflag:s28] =	ssyncset.done $0x0  }
0x33: {  	s4 =	simm.s32 $0x580;
	[sflag:s28] =	ssyncadd.s32 $0xFFFFC000  }
0x34: {  	[tilespmem:s20], [sflag:$0x1] =	stream.indirect.gather [hbm4b:s5+s18], $0x80, s4, s18, $0xb8;
	[tilespmem:$0xC880] =	vst v63  }
0x35: {  	_ = 	snop  }
0x36: {  	[hbm4b:s7+s3] =	stream.linear.scatter [tilespmem:s22], [sflag:$0x5], $0x4000, $0x38;
	[tilespmem:$0xC880] =	vst v63  }
0x37: {  	_ =	swait.ge [sflag:s30], $0x4000  }
0x38: {  	[sflag:s30] =	ssyncset.done $0x0  }
0x39: {  	[sflag:s30] =	ssyncadd.s32 $0xFFFFC000  }
0x3a: {  	_ =	swait.ge [sflag:s31], $0x4000  }
0x3b: {  	[sflag:s31] =	ssyncset.done $0x0  }
0x3c: {  	s24 =	simm.s32 $0x600;
	[sflag:s31] =	ssyncadd.s32 $0xFFFFC000  }
0x3d: {  	[tilespmem:s22], [sflag:$0x2] =	stream.indirect.gather [hbm4b:s5+s18], $0x80, s24, s18, $0xb8;
	[tilespmem:$0xC880] =	vst v63  }
0x3e: {  	_ = 	snop  }
0x3f: {  	[hbm4b:s8+s3] =	stream.linear.scatter [tilespmem:s25], [sflag:$0x6], $0x4000, $0x38;
	[tilespmem:$0xC880] =	vst v63  }
0x40: {  	_ =	swait.ge [sflag:s23], $0x4000  }
0x41: {  	[sflag:s23] =	ssyncset.done $0x0  }
0x42: {  	[sflag:s23] =	ssyncadd.s32 $0xFFFFC000  }
0x43: {  	_ =	swait.ge [sflag:s1], $0x4000  }
0x44: {  	[sflag:s1] =	ssyncset.done $0x0  }
0x45: {  	s29 =	simm.s32 $0x680;
	[sflag:s1] =	ssyncadd.s32 $0xFFFFC000  }
0x46: {  	[tilespmem:s25], [sflag:$0x3] =	stream.indirect.gather [hbm4b:s5+s18], $0x80, s29, s18, $0xb8;
	[tilespmem:$0xC880] =	vst v63  }
0x47: {  	_ = 	snop  }
0x48: {  	[hbm4b:s9+s3] =	stream.linear.scatter [tilespmem:s20], [sflag:$0x4], $0x4000, $0x38;
	[tilespmem:$0xC880] =	vst v63  }
0x49: {  	_ =	swait.ge [sflag:s26], $0x4000  }
0x4a: {  	[sflag:s26] =	ssyncset.done $0x0  }
0x4b: {  	[sflag:s26] =	ssyncadd.s32 $0xFFFFC000  }
0x4c: {  	_ =	swait.ge [sflag:s28], $0x4000  }
0x4d: {  	[sflag:s28] =	ssyncset.done $0x0  }
0x4e: {  	[sflag:s28] =	ssyncadd.s32 $0xFFFFC000  }
0x4f: {  	[tilespmem:s20], [sflag:$0x1] =	stream.indirect.gather [hbm4b:s5+s18], $0x80, s17, s18, $0xb8;
	[tilespmem:$0xC880] =	vst v63  }
0x50: {  	_ = 	snop  }
0x51: {  	[hbm4b:s11+s3] =	stream.linear.scatter [tilespmem:s22], [sflag:$0x5], $0x4000, $0x38;
	[tilespmem:$0xC880] =	vst v63  }
0x52: {  	_ =	swait.ge [sflag:s30], $0x4000  }
0x53: {  	[sflag:s30] =	ssyncset.done $0x0  }
0x54: {  	[sflag:s30] =	ssyncadd.s32 $0xFFFFC000  }
0x55: {  	_ =	swait.ge [sflag:s31], $0x4000  }
0x56: {  	[sflag:s31] =	ssyncset.done $0x0  }
0x57: {  	[sflag:s31] =	ssyncadd.s32 $0xFFFFC000  }
0x58: {  	[tilespmem:s22], [sflag:$0x2] =	stream.indirect.gather [hbm4b:s5+s18], $0x80, s19, s18, $0xb8;
	[tilespmem:$0xC880] =	vst v63  }
0x59: {  	_ = 	snop  }
0x5a: {  	[hbm4b:s12+s3] =	stream.linear.scatter [tilespmem:s25], [sflag:$0x6], $0x4000, $0x38;
	[tilespmem:$0xC880] =	vst v63  }
0x5b: {  	_ =	swait.ge [sflag:s23], $0x4000  }
0x5c: {  	[sflag:s23] =	ssyncset.done $0x0  }
0x5d: {  	[sflag:s23] =	ssyncadd.s32 $0xFFFFC000  }
0x5e: {  	[hbm4b:s13+s3] =	stream.linear.scatter [tilespmem:s20], [sflag:$0x4], $0x4000, $0x38;
	[tilespmem:$0xC880] =	vst v63  }
0x5f: {  	_ =	swait.ge [sflag:s26], $0x4000  }
0x60: {  	[sflag:s26] =	ssyncset.done $0x0  }
0x61: {  	[sflag:s26] =	ssyncadd.s32 $0xFFFFC000  }
0x62: {  	[hbm4b:s14+s3] =	stream.linear.scatter [tilespmem:s22], [sflag:$0x5], $0x4000, $0x38;
	[tilespmem:$0xC880] =	vst v63  }
0x63: {  	_ =	swait.ge [sflag:s1], $0x4000  }
0x64: {  	[sflag:s1] =	ssyncset.done $0x0  }
0x65: {  	s21 =	sadd.s32 $0x1, s21;
	[sflag:s1] =	ssyncadd.s32 $0xFFFFC000  }
0x66: {  	p0 =	sne.s32 s21, s15;
	_ =	swait.ge [sflag:s28], $0x4000  }
.Ltmp1:
0x67: {  	[sflag:s28] =	ssyncset.done $0x0;
	(pc) =	sbr.rel @p0 .LBB2_1-.Ltmp1, $4  }
0x68: {  	[sflag:s28] =	ssyncadd.s32 $0xFFFFC000  }
0x69: {  	_ =	swait.ge [sflag:s31], $0x4000  }
0x6a: {  	[sflag:s31] =	ssyncset.done $0x0  }
0x6b: {  	[sflag:s31] =	ssyncadd.s32 $0xFFFFC000  }
0x6c: {  	_ =	sfence.sel $0x180000  }
0x6d: {  	[bflag:$0x0] =	sbarrier.arrive $0xFFFF  }
0x6e: {  	_ =	strace $0x90000047  }
0x6f: {  	s0 =	stileid.u32;
	[bflag:$0x2] =	sbarrier.arrive $0xFFFF  }
0x70: {  	p0 =	sne.s32 s0, $0x0;
	s0 =	rddreg [dreg:$0x3]  }
0x71: {  	s0 =	sadd.s32 @!p0 $0x100000, s0  }
0x72: {  	[sflag:s0] =	ssyncadd.tile.s32 @!p0 $0x1;
	_ =	shalt  }
.Lfunc_end2:
_tile_overlayer_lowered:
.L_overlay_start_2:
0x73: {  	(tag) =	ssettag $0x2  }
0x74: {  	s0 =	rddreg [dreg:$0x0];
	s2 =	stileid.u32  }
0x75: {  	s1 =	rddreg [dreg:$0x1];
	p0 =	sne.s32 s2, $0x0  }
0x76: {  	s3 =	rddreg [dreg:$0x2];
	[bflag:$0x3] =	sbarrier.arrive $0xFFFF;
	s2 =	simm.s32 @!p0 $0x1C07  }
0x77: {  	[timem:s3], [sflag:s2] =	dma.local @!p0 [hbm:s0], s1  }
0x78: {  	s0 =	simm.s32 @!p0 $0x7  }
0x79: {  	_ =	swait.ge @!p0 [sflag:s0], s1  }
0x7a: {  	s1 =	ssub.s32 @!p0 $0x0, s1;
	[sflag:s0] =	ssyncset.done @!p0 $0x0  }
0x7b: {  	[sflag:s0] =	ssyncadd.s32 @!p0 s1  }
0x7c: {  	[bflag:$0x3] =	sbarrier.arrive $0xFFFF  }
0x7d: {  	_ =	shalt  }

</sc_bundles>
